<compile_context>
chip_gen: v7x
topology: tpu7x:2x2x1
jax: 0.10.2.dev20260603
libtpu: 0.0.44.dev20260713+nightly
codegen_flags: <defaults>
</compile_context>

<pallas_src>
import jax
import jax.numpy as jnp
from jax import lax
from jax.experimental import pallas as pl
from jax.experimental.pallas import tpu as pltpu
from jax.experimental.pallas import tpu_sc as plsc

VOCAB = 32000
QVOCAB = 64
DYN_VOCAB = VOCAB + QVOCAB + 256
BT = 4096
EPS = 1e-20
LN2 = 0.6931471805599453
SQRT2 = 1.41421356

_INFO = plsc.get_sparse_core_info()
NC, NS, L = _INFO.num_cores, _INFO.num_subcores, _INFO.num_lanes
NW = NC * NS
ROWS = BT // NW
CH = ROWS // L


def _neg_log(p):
    bits = lax.bitcast_convert_type(p, jnp.int32)
    e = lax.shift_right_arithmetic(bits, 23) - 127
    m = lax.bitcast_convert_type((bits & 0x7FFFFF) | 0x3F800000, jnp.float32)
    big = m > SQRT2
    m = jnp.where(big, m * 0.5, m)
    ef = jnp.where(big, e + 1, e).astype(jnp.float32)
    z = (m - 1.0) / (m + 1.0)
    z2 = z * z
    poly = 2.0 + z2 * (2.0 / 3.0 + z2 * (0.4 + z2 * (2.0 / 7.0 + z2 * (2.0 / 9.0))))
    return -(ef * LN2 + z * poly)


def _loss_body(scores_hbm, tgt_hbm, aq_hbm, as_hbm, out_hbm,
               tgt_v, aq_v, as_v, it_v, cr_v, vt_v, loss_v, sem, sem_t):
    wid = lax.axis_index("s") * NC + lax.axis_index("c")
    base = wid * ROWS

    c1 = pltpu.async_copy(tgt_hbm.at[pl.ds(base, ROWS)], tgt_v, sem_t)
    c2 = pltpu.async_copy(aq_hbm.at[pl.ds(base, ROWS)], aq_v, sem)
    c3 = pltpu.async_copy(as_hbm.at[pl.ds(base, ROWS)], as_v, sem)
    c4 = pltpu.async_copy(
        scores_hbm.at[pl.ds(VOCAB, DYN_VOCAB - VOCAB), pl.ds(base, ROWS)],
        cr_v, sem)
    c1.wait()
    for j in range(CH):
        sl = pl.ds(j * L, L)
        it_v[sl] = tgt_v[sl]
    g = pltpu.async_copy(scores_hbm.at[it_v, pl.ds(base, ROWS)], vt_v, sem)
    c2.wait()
    c3.wait()
    c4.wait()
    g.wait()

    for j in range(CH):
        sl = pl.ds(j * L, L)
        lane = j * L + lax.iota(jnp.int32, L)
        t = tgt_v[sl]
        aq = aq_v[sl]
        asrc = as_v[sl]
        vp = plsc.load_gather(vt_v, [lane, lane])
        qp0 = plsc.load_gather(cr_v, [aq, lane])
        sp0 = plsc.load_gather(cr_v, [QVOCAB + asrc, lane])
        qp = jnp.where(aq == 0, 0.0, qp0) + EPS
        sp = jnp.where(asrc == 0, 0.0, sp0) + EPS
        non_copy = ((aq == 0) & (asrc == 0)) | (t != 0)
        probs = qp + sp + jnp.where(non_copy, vp, 0.0)
        loss = _neg_log(probs)
        loss_v[sl] = jnp.where(t == -100, 0.0, loss)

    pltpu.sync_copy(loss_v, out_hbm.at[pl.ds(base, ROWS)])


@jax.jit
def _run(scores, align_qry, align_src, target):
    scores_t = scores.T
    k = pl.kernel(
        _loss_body,
        out_type=jax.ShapeDtypeStruct((BT,), jnp.float32),
        mesh=plsc.VectorSubcoreMesh(core_axis_name="c", subcore_axis_name="s"),
        compiler_params=pltpu.CompilerParams(
            use_tc_tiling_on_sc=True, needs_layout_passes=False),
        scratch_types=[
            pltpu.VMEM((ROWS,), jnp.int32),
            pltpu.VMEM((ROWS,), jnp.int32),
            pltpu.VMEM((ROWS,), jnp.int32),
            pltpu.VMEM((ROWS,), jnp.int32),
            pltpu.VMEM((DYN_VOCAB - VOCAB, ROWS), jnp.float32),
            pltpu.VMEM((ROWS, ROWS), jnp.float32),
            pltpu.VMEM((ROWS,), jnp.float32),
            pltpu.SemaphoreType.DMA,
            pltpu.SemaphoreType.DMA,
        ],
    )
    return k(scores_t, target, align_qry, align_src)


def kernel(scores, qry_map, align_qry, align_src, target):
    del qry_map
    return _run(scores, align_qry, align_src, target)

# --- scband reference (transcript-rebuilt; emitter-appended) ---
"""Pipeline reference for scband-copy-generator-loss-30047591202892 (READ-ONLY COPY).

The authoritative reference and input builder live on the scoring server;
editing this copy changes nothing except your own understanding.
"""

import jax, jax.numpy as jnp
import numpy as np

VOCAB_SIZE = 32000
UNK_INDEX = 0
IGNORE_INDEX = -100
EPS = 1e-20
FORCE_COPY = False


def setup_inputs(seed: int = 0) -> dict:
    key = jax.random.key(seed)
    k1, k2, k3, k4, k5 = jax.random.split(key, 5)
    BT = 4096
    dyn_vocab = VOCAB_SIZE + 64 + 256  # 32320
    scores = jax.random.uniform(k1, (BT, dyn_vocab), dtype=jnp.float32)
    qry_map = jax.random.uniform(k2, (8, 512, 64), dtype=jnp.float32)
    align_qry = jax.random.randint(k3, (BT,), 0, 64, dtype=jnp.int64 if jax.config.jax_enable_x64 else jnp.int32).astype(jnp.int32)
    align_src = jax.random.randint(k4, (BT,), 0, 256).astype(jnp.int32)
    target = jax.random.randint(k5, (BT,), 0, VOCAB_SIZE).astype(jnp.int32)
    return {"scores": scores, "qry_map": qry_map, "align_qry": align_qry,
            "align_src": align_src, "target": target}


def reference(scores, qry_map, align_qry, align_src, target):
    vocab_probs = jnp.take_along_axis(scores, target[:, None], axis=1)[:, 0]
    qvocab = qry_map.shape[2]
    copy_ix_qry = align_qry[:, None] + VOCAB_SIZE
    copy_ix_src = align_src[:, None] + VOCAB_SIZE + qvocab
    copy_tok_probs_qry = jnp.take_along_axis(scores, copy_ix_qry, axis=1)[:, 0]
    copy_tok_probs_src = jnp.take_along_axis(scores, copy_ix_src, axis=1)[:, 0]
    copy_tok_probs_qry = jnp.where(align_qry == UNK_INDEX, 0.0, copy_tok_probs_qry)
    copy_tok_probs_qry = copy_tok_probs_qry + EPS
    copy_tok_probs_src = jnp.where(align_src == UNK_INDEX, 0.0, copy_tok_probs_src)
    copy_tok_probs_src = copy_tok_probs_src + EPS
    non_copy = (align_qry == UNK_INDEX) & (align_src == UNK_INDEX)
    if not FORCE_COPY:
        non_copy = non_copy | (target != UNK_INDEX)
    probs = jnp.where(non_copy,
                      copy_tok_probs_qry + copy_tok_probs_src + vocab_probs,
                      copy_tok_probs_qry + copy_tok_probs_src)
    loss = -jnp.log(probs)
    loss = jnp.where(target == IGNORE_INDEX, 0.0, loss)
    return loss

if __name__ == "__main__":
    import jax
    _d = setup_inputs()
    print(jax.jit(kernel)(*tuple(_d.values())))

</pallas_src>

<mosaic_0001>
#map = affine_map<(d0, d1) -> (0, 0)>
#map1 = affine_map<(d0, d1) -> (0)>
module attributes {stable_mosaic.version = 14 : i64} {
  func.func @_loss_body(%arg0: i32, %arg1: i32, %arg2: memref<32320x4096xf32, #tpu.memory_space<hbm>>, %arg3: memref<4096xi32, #tpu.memory_space<hbm>>, %arg4: memref<4096xi32, #tpu.memory_space<hbm>>, %arg5: memref<4096xi32, #tpu.memory_space<hbm>>, %arg6: memref<4096xf32, #tpu.memory_space<hbm>>, %arg7: memref<128xi32, #tpu.memory_space<vmem>>, %arg8: memref<128xi32, #tpu.memory_space<vmem>>, %arg9: memref<128xi32, #tpu.memory_space<vmem>>, %arg10: memref<128xi32, #tpu.memory_space<vmem>>, %arg11: memref<320x128xf32, #tpu.memory_space<vmem>>, %arg12: memref<128x128xf32, #tpu.memory_space<vmem>>, %arg13: memref<128xf32, #tpu.memory_space<vmem>>, %arg14: memref<!tpu.dma_semaphore, #tpu.memory_space<semaphore_mem>>, %arg15: memref<!tpu.dma_semaphore, #tpu.memory_space<semaphore_mem>>) attributes {dimension_semantics = [#tpu.dimension_semantics<core_parallel>, #tpu.dimension_semantics<subcore_parallel>], iteration_bounds = array<i64: 2, 16>, scalar_prefetch = 0 : i64, scratch_operands = 9 : i64, tpu.core_type = #tpu.core_type<sc_vector_subcore>, window_params = [{transform_indices = #map}, {transform_indices = #map1}, {transform_indices = #map1}, {transform_indices = #map1}, {transform_indices = #map1}]} {
    %mul3A = arith.constant 2 : i32
    %mul3A_0 = arith.muli %arg1, %mul3A : i32
    %add3A = arith.addi %mul3A_0, %arg0 : i32
    %mul3A_1 = arith.constant 128 : i32
    %mul3A_2 = arith.muli %add3A, %mul3A_1 : i32
    %dma_start3A = tpu.memref_slice %arg3[%mul3A_2] : memref<4096xi32, #tpu.memory_space<hbm>> -> memref<128xi32, #tpu.memory_space<hbm>>
    %dma_start3A_3 = tpu.memref_slice %arg3[%mul3A_2] : memref<4096xi32, #tpu.memory_space<hbm>> -> memref<128xi32, #tpu.memory_space<hbm>>
    tpu.enqueue_dma source(%dma_start3A_3 : memref<128xi32, #tpu.memory_space<hbm>>) target(%arg7 : memref<128xi32, #tpu.memory_space<vmem>>) target_semaphore(%arg15 : memref<!tpu.dma_semaphore, #tpu.memory_space<semaphore_mem>>)
    %dma_start3A_4 = tpu.memref_slice %arg4[%mul3A_2] : memref<4096xi32, #tpu.memory_space<hbm>> -> memref<128xi32, #tpu.memory_space<hbm>>
    %dma_start3A_5 = tpu.memref_slice %arg4[%mul3A_2] : memref<4096xi32, #tpu.memory_space<hbm>> -> memref<128xi32, #tpu.memory_space<hbm>>
    tpu.enqueue_dma source(%dma_start3A_5 : memref<128xi32, #tpu.memory_space<hbm>>) target(%arg8 : memref<128xi32, #tpu.memory_space<vmem>>) target_semaphore(%arg14 : memref<!tpu.dma_semaphore, #tpu.memory_space<semaphore_mem>>)
    %dma_start3A_6 = tpu.memref_slice %arg5[%mul3A_2] : memref<4096xi32, #tpu.memory_space<hbm>> -> memref<128xi32, #tpu.memory_space<hbm>>
    %dma_start3A_7 = tpu.memref_slice %arg5[%mul3A_2] : memref<4096xi32, #tpu.memory_space<hbm>> -> memref<128xi32, #tpu.memory_space<hbm>>
    tpu.enqueue_dma source(%dma_start3A_7 : memref<128xi32, #tpu.memory_space<hbm>>) target(%arg9 : memref<128xi32, #tpu.memory_space<vmem>>) target_semaphore(%arg14 : memref<!tpu.dma_semaphore, #tpu.memory_space<semaphore_mem>>)
    %dma_start3A_8 = arith.constant 32000 : i32
    %dma_start3A_9 = tpu.memref_slice %arg2[%dma_start3A_8, %mul3A_2] : memref<32320x4096xf32, #tpu.memory_space<hbm>> -> memref<320x128xf32, #tpu.memory_space<hbm>>
    %dma_start3A_10 = arith.constant 32000 : i32
    %dma_start3A_11 = tpu.memref_slice %arg2[%dma_start3A_10, %mul3A_2] : memref<32320x4096xf32, #tpu.memory_space<hbm>> -> memref<320x128xf32, #tpu.memory_space<hbm>>
    tpu.enqueue_dma source(%dma_start3A_11 : memref<320x128xf32, #tpu.memory_space<hbm>>) target(%arg11 : memref<320x128xf32, #tpu.memory_space<vmem>>) target_semaphore(%arg14 : memref<!tpu.dma_semaphore, #tpu.memory_space<semaphore_mem>>)
    %dma_wait3A = tpu.memref_slice %arg3[%mul3A_2] : memref<4096xi32, #tpu.memory_space<hbm>> -> memref<128xi32, #tpu.memory_space<hbm>>
    %dma_wait3A_12 = tpu.memref_slice %arg3[%mul3A_2] : memref<4096xi32, #tpu.memory_space<hbm>> -> memref<128xi32, #tpu.memory_space<hbm>>
    tpu.wait_dma2 semaphore(%arg15 : memref<!tpu.dma_semaphore, #tpu.memory_space<semaphore_mem>>) src(%dma_wait3A_12 : memref<128xi32, #tpu.memory_space<hbm>>) dst(%arg7 : memref<128xi32, #tpu.memory_space<vmem>>)
    %get3A = arith.constant 0 : index
    %get3A_13 = tpu.vector_load %arg7[%get3A] {strides = array<i32>} : memref<128xi32, #tpu.memory_space<vmem>>, vector<16xi32>,
    %swap3A = arith.constant 0 : index
    %swap3A_14 = tpu.vector_load %arg10[%swap3A] {strides = array<i32>} : memref<128xi32, #tpu.memory_space<vmem>>, vector<16xi32>,
    tpu.vector_store %arg10[%swap3A], %get3A_13 {strides = array<i32>} : memref<128xi32, #tpu.memory_space<vmem>>, vector<16xi32>,
    %get3A_15 = arith.constant 16 : index
    %get3A_16 = tpu.vector_load %arg7[%get3A_15] {strides = array<i32>} : memref<128xi32, #tpu.memory_space<vmem>>, vector<16xi32>,
    %swap3A_17 = arith.constant 16 : index
    %swap3A_18 = tpu.vector_load %arg10[%swap3A_17] {strides = array<i32>} : memref<128xi32, #tpu.memory_space<vmem>>, vector<16xi32>,
    tpu.vector_store %arg10[%swap3A_17], %get3A_16 {strides = array<i32>} : memref<128xi32, #tpu.memory_space<vmem>>, vector<16xi32>,
    %get3A_19 = arith.constant 32 : index
    %get3A_20 = tpu.vector_load %arg7[%get3A_19] {strides = array<i32>} : memref<128xi32, #tpu.memory_space<vmem>>, vector<16xi32>,
    %swap3A_21 = arith.constant 32 : index
    %swap3A_22 = tpu.vector_load %arg10[%swap3A_21] {strides = array<i32>} : memref<128xi32, #tpu.memory_space<vmem>>, vector<16xi32>,
    tpu.vector_store %arg10[%swap3A_21], %get3A_20 {strides = array<i32>} : memref<128xi32, #tpu.memory_space<vmem>>, vector<16xi32>,
    %get3A_23 = arith.constant 48 : index
    %get3A_24 = tpu.vector_load %arg7[%get3A_23] {strides = array<i32>} : memref<128xi32, #tpu.memory_space<vmem>>, vector<16xi32>,
    %swap3A_25 = arith.constant 48 : index
    %swap3A_26 = tpu.vector_load %arg10[%swap3A_25] {strides = array<i32>} : memref<128xi32, #tpu.memory_space<vmem>>, vector<16xi32>,
    tpu.vector_store %arg10[%swap3A_25], %get3A_24 {strides = array<i32>} : memref<128xi32, #tpu.memory_space<vmem>>, vector<16xi32>,
    %get3A_27 = arith.constant 64 : index
    %get3A_28 = tpu.vector_load %arg7[%get3A_27] {strides = array<i32>} : memref<128xi32, #tpu.memory_space<vmem>>, vector<16xi32>,
    %swap3A_29 = arith.constant 64 : index
    %swap3A_30 = tpu.vector_load %arg10[%swap3A_29] {strides = array<i32>} : memref<128xi32, #tpu.memory_space<vmem>>, vector<16xi32>,
    tpu.vector_store %arg10[%swap3A_29], %get3A_28 {strides = array<i32>} : memref<128xi32, #tpu.memory_space<vmem>>, vector<16xi32>,
    %get3A_31 = arith.constant 80 : index
    %get3A_32 = tpu.vector_load %arg7[%get3A_31] {strides = array<i32>} : memref<128xi32, #tpu.memory_space<vmem>>, vector<16xi32>,
    %swap3A_33 = arith.constant 80 : index
    %swap3A_34 = tpu.vector_load %arg10[%swap3A_33] {strides = array<i32>} : memref<128xi32, #tpu.memory_space<vmem>>, vector<16xi32>,
    tpu.vector_store %arg10[%swap3A_33], %get3A_32 {strides = array<i32>} : memref<128xi32, #tpu.memory_space<vmem>>, vector<16xi32>,
    %get3A_35 = arith.constant 96 : index
    %get3A_36 = tpu.vector_load %arg7[%get3A_35] {strides = array<i32>} : memref<128xi32, #tpu.memory_space<vmem>>, vector<16xi32>,
    %swap3A_37 = arith.constant 96 : index
    %swap3A_38 = tpu.vector_load %arg10[%swap3A_37] {strides = array<i32>} : memref<128xi32, #tpu.memory_space<vmem>>, vector<16xi32>,
    tpu.vector_store %arg10[%swap3A_37], %get3A_36 {strides = array<i32>} : memref<128xi32, #tpu.memory_space<vmem>>, vector<16xi32>,
    %get3A_39 = arith.constant 112 : index
    %get3A_40 = tpu.vector_load %arg7[%get3A_39] {strides = array<i32>} : memref<128xi32, #tpu.memory_space<vmem>>, vector<16xi32>,
    %swap3A_41 = arith.constant 112 : index
    %swap3A_42 = tpu.vector_load %arg10[%swap3A_41] {strides = array<i32>} : memref<128xi32, #tpu.memory_space<vmem>>, vector<16xi32>,
    tpu.vector_store %arg10[%swap3A_41], %get3A_40 {strides = array<i32>} : memref<128xi32, #tpu.memory_space<vmem>>, vector<16xi32>,
    %dma_start3A_43 = arith.constant 0 : i32
    %dma_start3A_44 = tpu.memref_slice %arg2[%dma_start3A_43, %mul3A_2] : memref<32320x4096xf32, #tpu.memory_space<hbm>> -> memref<32320x128xf32, #tpu.memory_space<hbm>>
    tpu.enqueue_indirect_dma source(%dma_start3A_44 : memref<32320x128xf32, #tpu.memory_space<hbm>>) target(%arg12 : memref<128x128xf32, #tpu.memory_space<vmem>>) offsets(%arg10 : memref<128xi32, #tpu.memory_space<vmem>>) semaphore(%arg14 : memref<!tpu.dma_semaphore, #tpu.memory_space<semaphore_mem>>)
    %dma_wait3A_45 = tpu.memref_slice %arg4[%mul3A_2] : memref<4096xi32, #tpu.memory_space<hbm>> -> memref<128xi32, #tpu.memory_space<hbm>>
    %dma_wait3A_46 = tpu.memref_slice %arg4[%mul3A_2] : memref<4096xi32, #tpu.memory_space<hbm>> -> memref<128xi32, #tpu.memory_space<hbm>>
    tpu.wait_dma2 semaphore(%arg14 : memref<!tpu.dma_semaphore, #tpu.memory_space<semaphore_mem>>) src(%dma_wait3A_46 : memref<128xi32, #tpu.memory_space<hbm>>) dst(%arg8 : memref<128xi32, #tpu.memory_space<vmem>>)
    %dma_wait3A_47 = tpu.memref_slice %arg5[%mul3A_2] : memref<4096xi32, #tpu.memory_space<hbm>> -> memref<128xi32, #tpu.memory_space<hbm>>
    %dma_wait3A_48 = tpu.memref_slice %arg5[%mul3A_2] : memref<4096xi32, #tpu.memory_space<hbm>> -> memref<128xi32, #tpu.memory_space<hbm>>
    tpu.wait_dma2 semaphore(%arg14 : memref<!tpu.dma_semaphore, #tpu.memory_space<semaphore_mem>>) src(%dma_wait3A_48 : memref<128xi32, #tpu.memory_space<hbm>>) dst(%arg9 : memref<128xi32, #tpu.memory_space<vmem>>)
    %dma_wait3A_49 = arith.constant 32000 : i32
    %dma_wait3A_50 = tpu.memref_slice %arg2[%dma_wait3A_49, %mul3A_2] : memref<32320x4096xf32, #tpu.memory_space<hbm>> -> memref<320x128xf32, #tpu.memory_space<hbm>>
    %dma_wait3A_51 = arith.constant 32000 : i32
    %dma_wait3A_52 = tpu.memref_slice %arg2[%dma_wait3A_51, %mul3A_2] : memref<32320x4096xf32, #tpu.memory_space<hbm>> -> memref<320x128xf32, #tpu.memory_space<hbm>>
    tpu.wait_dma2 semaphore(%arg14 : memref<!tpu.dma_semaphore, #tpu.memory_space<semaphore_mem>>) src(%dma_wait3A_52 : memref<320x128xf32, #tpu.memory_space<hbm>>) dst(%arg11 : memref<320x128xf32, #tpu.memory_space<vmem>>)
    %dma_wait3A_53 = arith.constant 0 : i32
    %dma_wait3A_54 = tpu.memref_slice %arg2[%dma_wait3A_53, %mul3A_2] : memref<32320x4096xf32, #tpu.memory_space<hbm>> -> memref<32320x128xf32, #tpu.memory_space<hbm>>
    tpu.wait_indirect_dma semaphore(%arg14 : memref<!tpu.dma_semaphore, #tpu.memory_space<semaphore_mem>>) src(%dma_wait3A_54 : memref<32320x128xf32, #tpu.memory_space<hbm>>) dst(%arg12 : memref<128x128xf32, #tpu.memory_space<vmem>>)
    %iota3A = tpu.iota {dimensions = array<i32: 0>} : vector<16xi32>
    %add3A_55 = arith.constant 0 : i32
    %add3A_56 = vector.broadcast %add3A_55 : i32 to vector<16xi32>
    %add3A_57 = arith.addi %add3A_56, %iota3A : vector<16xi32>
    %get3A_58 = arith.constant 0 : index
    %get3A_59 = tpu.vector_load %arg7[%get3A_58] {strides = array<i32>} : memref<128xi32, #tpu.memory_space<vmem>>, vector<16xi32>,
    %get3A_60 = arith.constant 0 : index
    %get3A_61 = tpu.vector_load %arg8[%get3A_60] {strides = array<i32>} : memref<128xi32, #tpu.memory_space<vmem>>, vector<16xi32>,
    %get3A_62 = arith.constant 0 : index
    %get3A_63 = tpu.vector_load %arg9[%get3A_62] {strides = array<i32>} : memref<128xi32, #tpu.memory_space<vmem>>, vector<16xi32>,
    %gather3A = tpu.vector_load_idx %arg12[%add3A_57, %add3A_57] : memref<128x128xf32, #tpu.memory_space<vmem>>[vector<16xi32>, vector<16xi32>], vector<16xf32>,
    %gather3A_64 = tpu.vector_load_idx %arg11[%get3A_61, %add3A_57] : memref<320x128xf32, #tpu.memory_space<vmem>>[vector<16xi32>, vector<16xi32>], vector<16xf32>,
    %add3A_65 = arith.constant 64 : i32
    %add3A_66 = vector.broadcast %add3A_65 : i32 to vector<16xi32>
    %add3A_67 = arith.addi %add3A_66, %get3A_63 : vector<16xi32>
    %gather3A_68 = tpu.vector_load_idx %arg11[%add3A_67, %add3A_57] : memref<320x128xf32, #tpu.memory_space<vmem>>[vector<16xi32>, vector<16xi32>], vector<16xf32>,
    %eq3A = arith.constant 0 : i32
    %eq3A_69 = vector.broadcast %eq3A : i32 to vector<16xi32>
    %eq3A_70 = arith.cmpi eq, %get3A_61, %eq3A_69 : vector<16xi32>
    %jit3A = arith.constant 0.000000e+00 : f32
    %broadcast_in_dim3A = vector.broadcast %jit3A : f32 to vector<16xf32>
    %select_n3A = arith.select %eq3A_70, %broadcast_in_dim3A, %gather3A_64 : vector<16xi1>, vector<16xf32>
    %add3A_71 = arith.constant 9.99999968E-21 : f32
    %add3A_72 = vector.broadcast %add3A_71 : f32 to vector<16xf32>
    %add3A_73 = arith.addf %select_n3A, %add3A_72 : vector<16xf32>
    %eq3A_74 = arith.constant 0 : i32
    %eq3A_75 = vector.broadcast %eq3A_74 : i32 to vector<16xi32>
    %eq3A_76 = arith.cmpi eq, %get3A_63, %eq3A_75 : vector<16xi32>
    %jit3A_77 = arith.constant 0.000000e+00 : f32
    %broadcast_in_dim3A_78 = vector.broadcast %jit3A_77 : f32 to vector<16xf32>
    %select_n3A_79 = arith.select %eq3A_76, %broadcast_in_dim3A_78, %gather3A_68 : vector<16xi1>, vector<16xf32>
    %add3A_80 = arith.constant 9.99999968E-21 : f32
    %add3A_81 = vector.broadcast %add3A_80 : f32 to vector<16xf32>
    %add3A_82 = arith.addf %select_n3A_79, %add3A_81 : vector<16xf32>
    %eq3A_83 = arith.constant 0 : i32
    %eq3A_84 = vector.broadcast %eq3A_83 : i32 to vector<16xi32>
    %eq3A_85 = arith.cmpi eq, %get3A_61, %eq3A_84 : vector<16xi32>
    %eq3A_86 = arith.constant 0 : i32
    %eq3A_87 = vector.broadcast %eq3A_86 : i32 to vector<16xi32>
    %eq3A_88 = arith.cmpi eq, %get3A_63, %eq3A_87 : vector<16xi32>
    %and3A = arith.andi %eq3A_85, %eq3A_88 : vector<16xi1>
    %ne3A = arith.constant 0 : i32
    %ne3A_89 = vector.broadcast %ne3A : i32 to vector<16xi32>
    %ne3A_90 = arith.cmpi ne, %get3A_59, %ne3A_89 : vector<16xi32>
    %or3A = arith.ori %and3A, %ne3A_90 : vector<16xi1>
    %add3A_91 = arith.addf %add3A_73, %add3A_82 : vector<16xf32>
    %jit3A_92 = arith.constant 0.000000e+00 : f32
    %broadcast_in_dim3A_93 = vector.broadcast %jit3A_92 : f32 to vector<16xf32>
    %select_n3A_94 = arith.select %or3A, %gather3A, %broadcast_in_dim3A_93 : vector<16xi1>, vector<16xf32>
    %add3A_95 = arith.addf %add3A_91, %select_n3A_94 : vector<16xf32>
    %bitcast_convert_type3A = tpu.bitcast %add3A_95 : vector<16xf32> -> vector<16xi32>
    %shift_right_arithmetic3A = arith.constant 23 : i32
    %shift_right_arithmetic3A_96 = vector.broadcast %shift_right_arithmetic3A : i32 to vector<16xi32>
    %shift_right_arithmetic3A_97 = arith.shrsi %bitcast_convert_type3A, %shift_right_arithmetic3A_96 : vector<16xi32>
    %sub3A = arith.constant 127 : i32
    %sub3A_98 = vector.broadcast %sub3A : i32 to vector<16xi32>
    %sub3A_99 = arith.subi %shift_right_arithmetic3A_97, %sub3A_98 : vector<16xi32>
    %and3A_100 = arith.constant 8388607 : i32
    %and3A_101 = vector.broadcast %and3A_100 : i32 to vector<16xi32>
    %and3A_102 = arith.andi %bitcast_convert_type3A, %and3A_101 : vector<16xi32>
    %or3A_103 = arith.constant 1065353216 : i32
    %or3A_104 = vector.broadcast %or3A_103 : i32 to vector<16xi32>
    %or3A_105 = arith.ori %and3A_102, %or3A_104 : vector<16xi32>
    %bitcast_convert_type3A_106 = tpu.bitcast %or3A_105 : vector<16xi32> -> vector<16xf32>
    %gt3A = arith.constant 1.41421354 : f32
    %gt3A_107 = vector.broadcast %gt3A : f32 to vector<16xf32>
    %gt3A_108 = arith.cmpf ogt, %bitcast_convert_type3A_106, %gt3A_107 : vector<16xf32>
    %mul3A_109 = arith.constant 5.000000e-01 : f32
    %mul3A_110 = vector.broadcast %mul3A_109 : f32 to vector<16xf32>
    %mul3A_111 = arith.mulf %bitcast_convert_type3A_106, %mul3A_110 : vector<16xf32>
    %select_n3A_112 = arith.select %gt3A_108, %mul3A_111, %bitcast_convert_type3A_106 : vector<16xi1>, vector<16xf32>
    %add3A_113 = arith.constant 1 : i32
    %add3A_114 = vector.broadcast %add3A_113 : i32 to vector<16xi32>
    %add3A_115 = arith.addi %sub3A_99, %add3A_114 : vector<16xi32>
    %select_n3A_116 = arith.select %gt3A_108, %add3A_115, %sub3A_99 : vector<16xi1>, vector<16xi32>
    %convert_element_type3A = arith.sitofp %select_n3A_116 : vector<16xi32> to vector<16xf32>
    %sub3A_117 = arith.constant 1.000000e+00 : f32
    %sub3A_118 = vector.broadcast %sub3A_117 : f32 to vector<16xf32>
    %sub3A_119 = arith.subf %select_n3A_112, %sub3A_118 : vector<16xf32>
    %add3A_120 = arith.constant 1.000000e+00 : f32
    %add3A_121 = vector.broadcast %add3A_120 : f32 to vector<16xf32>
    %add3A_122 = arith.addf %select_n3A_112, %add3A_121 : vector<16xf32>
    %div3A = arith.divf %sub3A_119, %add3A_122 : vector<16xf32>
    %mul3A_123 = arith.mulf %div3A, %div3A : vector<16xf32>
    %mul3A_124 = arith.constant 0.222222224 : f32
    %mul3A_125 = vector.broadcast %mul3A_124 : f32 to vector<16xf32>
    %mul3A_126 = arith.mulf %mul3A_123, %mul3A_125 : vector<16xf32>
    %add3A_127 = arith.constant 0.285714298 : f32
    %add3A_128 = vector.broadcast %add3A_127 : f32 to vector<16xf32>
    %add3A_129 = arith.addf %add3A_128, %mul3A_126 : vector<16xf32>
    %mul3A_130 = arith.mulf %mul3A_123, %add3A_129 : vector<16xf32>
    %add3A_131 = arith.constant 4.000000e-01 : f32
    %add3A_132 = vector.broadcast %add3A_131 : f32 to vector<16xf32>
    %add3A_133 = arith.addf %add3A_132, %mul3A_130 : vector<16xf32>
    %mul3A_134 = arith.mulf %mul3A_123, %add3A_133 : vector<16xf32>
    %add3A_135 = arith.constant 0.666666686 : f32
    %add3A_136 = vector.broadcast %add3A_135 : f32 to vector<16xf32>
    %add3A_137 = arith.addf %add3A_136, %mul3A_134 : vector<16xf32>
    %mul3A_138 = arith.mulf %mul3A_123, %add3A_137 : vector<16xf32>
    %add3A_139 = arith.constant 2.000000e+00 : f32
    %add3A_140 = vector.broadcast %add3A_139 : f32 to vector<16xf32>
    %add3A_141 = arith.addf %add3A_140, %mul3A_138 : vector<16xf32>
    %mul3A_142 = arith.constant 0.693147182 : f32
    %mul3A_143 = vector.broadcast %mul3A_142 : f32 to vector<16xf32>
    %mul3A_144 = arith.mulf %convert_element_type3A, %mul3A_143 : vector<16xf32>
    %mul3A_145 = arith.mulf %div3A, %add3A_141 : vector<16xf32>
    %add3A_146 = arith.addf %mul3A_144, %mul3A_145 : vector<16xf32>
    %neg3A = arith.constant 0.000000e+00 : f32
    %neg3A_147 = vector.broadcast %neg3A : f32 to vector<16xf32>
    %neg3A_148 = arith.subf %neg3A_147, %add3A_146 : vector<16xf32>
    %eq3A_149 = arith.constant -100 : i32
    %eq3A_150 = vector.broadcast %eq3A_149 : i32 to vector<16xi32>
    %eq3A_151 = arith.cmpi eq, %get3A_59, %eq3A_150 : vector<16xi32>
    %jit3A_152 = arith.constant 0.000000e+00 : f32
    %broadcast_in_dim3A_153 = vector.broadcast %jit3A_152 : f32 to vector<16xf32>
    %select_n3A_154 = arith.select %eq3A_151, %broadcast_in_dim3A_153, %neg3A_148 : vector<16xi1>, vector<16xf32>
    %swap3A_155 = arith.constant 0 : index
    %swap3A_156 = tpu.vector_load %arg13[%swap3A_155] {strides = array<i32>} : memref<128xf32, #tpu.memory_space<vmem>>, vector<16xf32>,
    tpu.vector_store %arg13[%swap3A_155], %select_n3A_154 {strides = array<i32>} : memref<128xf32, #tpu.memory_space<vmem>>, vector<16xf32>,
    %iota3A_157 = tpu.iota {dimensions = array<i32: 0>} : vector<16xi32>
    %add3A_158 = arith.constant 16 : i32
    %add3A_159 = vector.broadcast %add3A_158 : i32 to vector<16xi32>
    %add3A_160 = arith.addi %add3A_159, %iota3A_157 : vector<16xi32>
    %get3A_161 = arith.constant 16 : index
    %get3A_162 = tpu.vector_load %arg7[%get3A_161] {strides = array<i32>} : memref<128xi32, #tpu.memory_space<vmem>>, vector<16xi32>,
    %get3A_163 = arith.constant 16 : index
    %get3A_164 = tpu.vector_load %arg8[%get3A_163] {strides = array<i32>} : memref<128xi32, #tpu.memory_space<vmem>>, vector<16xi32>,
    %get3A_165 = arith.constant 16 : index
    %get3A_166 = tpu.vector_load %arg9[%get3A_165] {strides = array<i32>} : memref<128xi32, #tpu.memory_space<vmem>>, vector<16xi32>,
    %gather3A_167 = tpu.vector_load_idx %arg12[%add3A_160, %add3A_160] : memref<128x128xf32, #tpu.memory_space<vmem>>[vector<16xi32>, vector<16xi32>], vector<16xf32>,
    %gather3A_168 = tpu.vector_load_idx %arg11[%get3A_164, %add3A_160] : memref<320x128xf32, #tpu.memory_space<vmem>>[vector<16xi32>, vector<16xi32>], vector<16xf32>,
    %add3A_169 = arith.constant 64 : i32
    %add3A_170 = vector.broadcast %add3A_169 : i32 to vector<16xi32>
    %add3A_171 = arith.addi %add3A_170, %get3A_166 : vector<16xi32>
    %gather3A_172 = tpu.vector_load_idx %arg11[%add3A_171, %add3A_160] : memref<320x128xf32, #tpu.memory_space<vmem>>[vector<16xi32>, vector<16xi32>], vector<16xf32>,
    %eq3A_173 = arith.constant 0 : i32
    %eq3A_174 = vector.broadcast %eq3A_173 : i32 to vector<16xi32>
    %eq3A_175 = arith.cmpi eq, %get3A_164, %eq3A_174 : vector<16xi32>
    %jit3A_176 = arith.constant 0.000000e+00 : f32
    %broadcast_in_dim3A_177 = vector.broadcast %jit3A_176 : f32 to vector<16xf32>
    %select_n3A_178 = arith.select %eq3A_175, %broadcast_in_dim3A_177, %gather3A_168 : vector<16xi1>, vector<16xf32>
    %add3A_179 = arith.constant 9.99999968E-21 : f32
    %add3A_180 = vector.broadcast %add3A_179 : f32 to vector<16xf32>
    %add3A_181 = arith.addf %select_n3A_178, %add3A_180 : vector<16xf32>
    %eq3A_182 = arith.constant 0 : i32
    %eq3A_183 = vector.broadcast %eq3A_182 : i32 to vector<16xi32>
    %eq3A_184 = arith.cmpi eq, %get3A_166, %eq3A_183 : vector<16xi32>
    %jit3A_185 = arith.constant 0.000000e+00 : f32
    %broadcast_in_dim3A_186 = vector.broadcast %jit3A_185 : f32 to vector<16xf32>
    %select_n3A_187 = arith.select %eq3A_184, %broadcast_in_dim3A_186, %gather3A_172 : vector<16xi1>, vector<16xf32>
    %add3A_188 = arith.constant 9.99999968E-21 : f32
    %add3A_189 = vector.broadcast %add3A_188 : f32 to vector<16xf32>
    %add3A_190 = arith.addf %select_n3A_187, %add3A_189 : vector<16xf32>
    %eq3A_191 = arith.constant 0 : i32
    %eq3A_192 = vector.broadcast %eq3A_191 : i32 to vector<16xi32>
    %eq3A_193 = arith.cmpi eq, %get3A_164, %eq3A_192 : vector<16xi32>
    %eq3A_194 = arith.constant 0 : i32
    %eq3A_195 = vector.broadcast %eq3A_194 : i32 to vector<16xi32>
    %eq3A_196 = arith.cmpi eq, %get3A_166, %eq3A_195 : vector<16xi32>
    %and3A_197 = arith.andi %eq3A_193, %eq3A_196 : vector<16xi1>
    %ne3A_198 = arith.constant 0 : i32
    %ne3A_199 = vector.broadcast %ne3A_198 : i32 to vector<16xi32>
    %ne3A_200 = arith.cmpi ne, %get3A_162, %ne3A_199 : vector<16xi32>
    %or3A_201 = arith.ori %and3A_197, %ne3A_200 : vector<16xi1>
    %add3A_202 = arith.addf %add3A_181, %add3A_190 : vector<16xf32>
    %jit3A_203 = arith.constant 0.000000e+00 : f32
    %broadcast_in_dim3A_204 = vector.broadcast %jit3A_203 : f32 to vector<16xf32>
    %select_n3A_205 = arith.select %or3A_201, %gather3A_167, %broadcast_in_dim3A_204 : vector<16xi1>, vector<16xf32>
    %add3A_206 = arith.addf %add3A_202, %select_n3A_205 : vector<16xf32>
    %bitcast_convert_type3A_207 = tpu.bitcast %add3A_206 : vector<16xf32> -> vector<16xi32>
    %shift_right_arithmetic3A_208 = arith.constant 23 : i32
    %shift_right_arithmetic3A_209 = vector.broadcast %shift_right_arithmetic3A_208 : i32 to vector<16xi32>
    %shift_right_arithmetic3A_210 = arith.shrsi %bitcast_convert_type3A_207, %shift_right_arithmetic3A_209 : vector<16xi32>
    %sub3A_211 = arith.constant 127 : i32
    %sub3A_212 = vector.broadcast %sub3A_211 : i32 to vector<16xi32>
    %sub3A_213 = arith.subi %shift_right_arithmetic3A_210, %sub3A_212 : vector<16xi32>
    %and3A_214 = arith.constant 8388607 : i32
    %and3A_215 = vector.broadcast %and3A_214 : i32 to vector<16xi32>
    %and3A_216 = arith.andi %bitcast_convert_type3A_207, %and3A_215 : vector<16xi32>
    %or3A_217 = arith.constant 1065353216 : i32
    %or3A_218 = vector.broadcast %or3A_217 : i32 to vector<16xi32>
    %or3A_219 = arith.ori %and3A_216, %or3A_218 : vector<16xi32>
    %bitcast_convert_type3A_220 = tpu.bitcast %or3A_219 : vector<16xi32> -> vector<16xf32>
    %gt3A_221 = arith.constant 1.41421354 : f32
    %gt3A_222 = vector.broadcast %gt3A_221 : f32 to vector<16xf32>
    %gt3A_223 = arith.cmpf ogt, %bitcast_convert_type3A_220, %gt3A_222 : vector<16xf32>
    %mul3A_224 = arith.constant 5.000000e-01 : f32
    %mul3A_225 = vector.broadcast %mul3A_224 : f32 to vector<16xf32>
    %mul3A_226 = arith.mulf %bitcast_convert_type3A_220, %mul3A_225 : vector<16xf32>
    %select_n3A_227 = arith.select %gt3A_223, %mul3A_226, %bitcast_convert_type3A_220 : vector<16xi1>, vector<16xf32>
    %add3A_228 = arith.constant 1 : i32
    %add3A_229 = vector.broadcast %add3A_228 : i32 to vector<16xi32>
    %add3A_230 = arith.addi %sub3A_213, %add3A_229 : vector<16xi32>
    %select_n3A_231 = arith.select %gt3A_223, %add3A_230, %sub3A_213 : vector<16xi1>, vector<16xi32>
    %convert_element_type3A_232 = arith.sitofp %select_n3A_231 : vector<16xi32> to vector<16xf32>
    %sub3A_233 = arith.constant 1.000000e+00 : f32
    %sub3A_234 = vector.broadcast %sub3A_233 : f32 to vector<16xf32>
    %sub3A_235 = arith.subf %select_n3A_227, %sub3A_234 : vector<16xf32>
    %add3A_236 = arith.constant 1.000000e+00 : f32
    %add3A_237 = vector.broadcast %add3A_236 : f32 to vector<16xf32>
    %add3A_238 = arith.addf %select_n3A_227, %add3A_237 : vector<16xf32>
    %div3A_239 = arith.divf %sub3A_235, %add3A_238 : vector<16xf32>
    %mul3A_240 = arith.mulf %div3A_239, %div3A_239 : vector<16xf32>
    %mul3A_241 = arith.constant 0.222222224 : f32
    %mul3A_242 = vector.broadcast %mul3A_241 : f32 to vector<16xf32>
    %mul3A_243 = arith.mulf %mul3A_240, %mul3A_242 : vector<16xf32>
    %add3A_244 = arith.constant 0.285714298 : f32
    %add3A_245 = vector.broadcast %add3A_244 : f32 to vector<16xf32>
    %add3A_246 = arith.addf %add3A_245, %mul3A_243 : vector<16xf32>
    %mul3A_247 = arith.mulf %mul3A_240, %add3A_246 : vector<16xf32>
    %add3A_248 = arith.constant 4.000000e-01 : f32
    %add3A_249 = vector.broadcast %add3A_248 : f32 to vector<16xf32>
    %add3A_250 = arith.addf %add3A_249, %mul3A_247 : vector<16xf32>
    %mul3A_251 = arith.mulf %mul3A_240, %add3A_250 : vector<16xf32>
    %add3A_252 = arith.constant 0.666666686 : f32
    %add3A_253 = vector.broadcast %add3A_252 : f32 to vector<16xf32>
    %add3A_254 = arith.addf %add3A_253, %mul3A_251 : vector<16xf32>
    %mul3A_255 = arith.mulf %mul3A_240, %add3A_254 : vector<16xf32>
    %add3A_256 = arith.constant 2.000000e+00 : f32
    %add3A_257 = vector.broadcast %add3A_256 : f32 to vector<16xf32>
    %add3A_258 = arith.addf %add3A_257, %mul3A_255 : vector<16xf32>
    %mul3A_259 = arith.constant 0.693147182 : f32
    %mul3A_260 = vector.broadcast %mul3A_259 : f32 to vector<16xf32>
    %mul3A_261 = arith.mulf %convert_element_type3A_232, %mul3A_260 : vector<16xf32>
    %mul3A_262 = arith.mulf %div3A_239, %add3A_258 : vector<16xf32>
    %add3A_263 = arith.addf %mul3A_261, %mul3A_262 : vector<16xf32>
    %neg3A_264 = arith.constant 0.000000e+00 : f32
    %neg3A_265 = vector.broadcast %neg3A_264 : f32 to vector<16xf32>
    %neg3A_266 = arith.subf %neg3A_265, %add3A_263 : vector<16xf32>
    %eq3A_267 = arith.constant -100 : i32
    %eq3A_268 = vector.broadcast %eq3A_267 : i32 to vector<16xi32>
    %eq3A_269 = arith.cmpi eq, %get3A_162, %eq3A_268 : vector<16xi32>
    %jit3A_270 = arith.constant 0.000000e+00 : f32
    %broadcast_in_dim3A_271 = vector.broadcast %jit3A_270 : f32 to vector<16xf32>
    %select_n3A_272 = arith.select %eq3A_269, %broadcast_in_dim3A_271, %neg3A_266 : vector<16xi1>, vector<16xf32>
    %swap3A_273 = arith.constant 16 : index
    %swap3A_274 = tpu.vector_load %arg13[%swap3A_273] {strides = array<i32>} : memref<128xf32, #tpu.memory_space<vmem>>, vector<16xf32>,
    tpu.vector_store %arg13[%swap3A_273], %select_n3A_272 {strides = array<i32>} : memref<128xf32, #tpu.memory_space<vmem>>, vector<16xf32>,
    %iota3A_275 = tpu.iota {dimensions = array<i32: 0>} : vector<16xi32>
    %add3A_276 = arith.constant 32 : i32
    %add3A_277 = vector.broadcast %add3A_276 : i32 to vector<16xi32>
    %add3A_278 = arith.addi %add3A_277, %iota3A_275 : vector<16xi32>
    %get3A_279 = arith.constant 32 : index
    %get3A_280 = tpu.vector_load %arg7[%get3A_279] {strides = array<i32>} : memref<128xi32, #tpu.memory_space<vmem>>, vector<16xi32>,
    %get3A_281 = arith.constant 32 : index
    %get3A_282 = tpu.vector_load %arg8[%get3A_281] {strides = array<i32>} : memref<128xi32, #tpu.memory_space<vmem>>, vector<16xi32>,
    %get3A_283 = arith.constant 32 : index
    %get3A_284 = tpu.vector_load %arg9[%get3A_283] {strides = array<i32>} : memref<128xi32, #tpu.memory_space<vmem>>, vector<16xi32>,
    %gather3A_285 = tpu.vector_load_idx %arg12[%add3A_278, %add3A_278] : memref<128x128xf32, #tpu.memory_space<vmem>>[vector<16xi32>, vector<16xi32>], vector<16xf32>,
    %gather3A_286 = tpu.vector_load_idx %arg11[%get3A_282, %add3A_278] : memref<320x128xf32, #tpu.memory_space<vmem>>[vector<16xi32>, vector<16xi32>], vector<16xf32>,
    %add3A_287 = arith.constant 64 : i32
    %add3A_288 = vector.broadcast %add3A_287 : i32 to vector<16xi32>
    %add3A_289 = arith.addi %add3A_288, %get3A_284 : vector<16xi32>
    %gather3A_290 = tpu.vector_load_idx %arg11[%add3A_289, %add3A_278] : memref<320x128xf32, #tpu.memory_space<vmem>>[vector<16xi32>, vector<16xi32>], vector<16xf32>,
    %eq3A_291 = arith.constant 0 : i32
    %eq3A_292 = vector.broadcast %eq3A_291 : i32 to vector<16xi32>
    %eq3A_293 = arith.cmpi eq, %get3A_282, %eq3A_292 : vector<16xi32>
    %jit3A_294 = arith.constant 0.000000e+00 : f32
    %broadcast_in_dim3A_295 = vector.broadcast %jit3A_294 : f32 to vector<16xf32>
    %select_n3A_296 = arith.select %eq3A_293, %broadcast_in_dim3A_295, %gather3A_286 : vector<16xi1>, vector<16xf32>
    %add3A_297 = arith.constant 9.99999968E-21 : f32
    %add3A_298 = vector.broadcast %add3A_297 : f32 to vector<16xf32>
    %add3A_299 = arith.addf %select_n3A_296, %add3A_298 : vector<16xf32>
    %eq3A_300 = arith.constant 0 : i32
    %eq3A_301 = vector.broadcast %eq3A_300 : i32 to vector<16xi32>
    %eq3A_302 = arith.cmpi eq, %get3A_284, %eq3A_301 : vector<16xi32>
    %jit3A_303 = arith.constant 0.000000e+00 : f32
    %broadcast_in_dim3A_304 = vector.broadcast %jit3A_303 : f32 to vector<16xf32>
    %select_n3A_305 = arith.select %eq3A_302, %broadcast_in_dim3A_304, %gather3A_290 : vector<16xi1>, vector<16xf32>
    %add3A_306 = arith.constant 9.99999968E-21 : f32
    %add3A_307 = vector.broadcast %add3A_306 : f32 to vector<16xf32>
    %add3A_308 = arith.addf %select_n3A_305, %add3A_307 : vector<16xf32>
    %eq3A_309 = arith.constant 0 : i32
    %eq3A_310 = vector.broadcast %eq3A_309 : i32 to vector<16xi32>
    %eq3A_311 = arith.cmpi eq, %get3A_282, %eq3A_310 : vector<16xi32>
    %eq3A_312 = arith.constant 0 : i32
    %eq3A_313 = vector.broadcast %eq3A_312 : i32 to vector<16xi32>
    %eq3A_314 = arith.cmpi eq, %get3A_284, %eq3A_313 : vector<16xi32>
    %and3A_315 = arith.andi %eq3A_311, %eq3A_314 : vector<16xi1>
    %ne3A_316 = arith.constant 0 : i32
    %ne3A_317 = vector.broadcast %ne3A_316 : i32 to vector<16xi32>
    %ne3A_318 = arith.cmpi ne, %get3A_280, %ne3A_317 : vector<16xi32>
    %or3A_319 = arith.ori %and3A_315, %ne3A_318 : vector<16xi1>
    %add3A_320 = arith.addf %add3A_299, %add3A_308 : vector<16xf32>
    %jit3A_321 = arith.constant 0.000000e+00 : f32
    %broadcast_in_dim3A_322 = vector.broadcast %jit3A_321 : f32 to vector<16xf32>
    %select_n3A_323 = arith.select %or3A_319, %gather3A_285, %broadcast_in_dim3A_322 : vector<16xi1>, vector<16xf32>
    %add3A_324 = arith.addf %add3A_320, %select_n3A_323 : vector<16xf32>
    %bitcast_convert_type3A_325 = tpu.bitcast %add3A_324 : vector<16xf32> -> vector<16xi32>
    %shift_right_arithmetic3A_326 = arith.constant 23 : i32
    %shift_right_arithmetic3A_327 = vector.broadcast %shift_right_arithmetic3A_326 : i32 to vector<16xi32>
    %shift_right_arithmetic3A_328 = arith.shrsi %bitcast_convert_type3A_325, %shift_right_arithmetic3A_327 : vector<16xi32>
    %sub3A_329 = arith.constant 127 : i32
    %sub3A_330 = vector.broadcast %sub3A_329 : i32 to vector<16xi32>
    %sub3A_331 = arith.subi %shift_right_arithmetic3A_328, %sub3A_330 : vector<16xi32>
    %and3A_332 = arith.constant 8388607 : i32
    %and3A_333 = vector.broadcast %and3A_332 : i32 to vector<16xi32>
    %and3A_334 = arith.andi %bitcast_convert_type3A_325, %and3A_333 : vector<16xi32>
    %or3A_335 = arith.constant 1065353216 : i32
    %or3A_336 = vector.broadcast %or3A_335 : i32 to vector<16xi32>
    %or3A_337 = arith.ori %and3A_334, %or3A_336 : vector<16xi32>
    %bitcast_convert_type3A_338 = tpu.bitcast %or3A_337 : vector<16xi32> -> vector<16xf32>
    %gt3A_339 = arith.constant 1.41421354 : f32
    %gt3A_340 = vector.broadcast %gt3A_339 : f32 to vector<16xf32>
    %gt3A_341 = arith.cmpf ogt, %bitcast_convert_type3A_338, %gt3A_340 : vector<16xf32>
    %mul3A_342 = arith.constant 5.000000e-01 : f32
    %mul3A_343 = vector.broadcast %mul3A_342 : f32 to vector<16xf32>
    %mul3A_344 = arith.mulf %bitcast_convert_type3A_338, %mul3A_343 : vector<16xf32>
    %select_n3A_345 = arith.select %gt3A_341, %mul3A_344, %bitcast_convert_type3A_338 : vector<16xi1>, vector<16xf32>
    %add3A_346 = arith.constant 1 : i32
    %add3A_347 = vector.broadcast %add3A_346 : i32 to vector<16xi32>
    %add3A_348 = arith.addi %sub3A_331, %add3A_347 : vector<16xi32>
    %select_n3A_349 = arith.select %gt3A_341, %add3A_348, %sub3A_331 : vector<16xi1>, vector<16xi32>
    %convert_element_type3A_350 = arith.sitofp %select_n3A_349 : vector<16xi32> to vector<16xf32>
    %sub3A_351 = arith.constant 1.000000e+00 : f32
    %sub3A_352 = vector.broadcast %sub3A_351 : f32 to vector<16xf32>
    %sub3A_353 = arith.subf %select_n3A_345, %sub3A_352 : vector<16xf32>
    %add3A_354 = arith.constant 1.000000e+00 : f32
    %add3A_355 = vector.broadcast %add3A_354 : f32 to vector<16xf32>
    %add3A_356 = arith.addf %select_n3A_345, %add3A_355 : vector<16xf32>
    %div3A_357 = arith.divf %sub3A_353, %add3A_356 : vector<16xf32>
    %mul3A_358 = arith.mulf %div3A_357, %div3A_357 : vector<16xf32>
    %mul3A_359 = arith.constant 0.222222224 : f32
    %mul3A_360 = vector.broadcast %mul3A_359 : f32 to vector<16xf32>
    %mul3A_361 = arith.mulf %mul3A_358, %mul3A_360 : vector<16xf32>
    %add3A_362 = arith.constant 0.285714298 : f32
    %add3A_363 = vector.broadcast %add3A_362 : f32 to vector<16xf32>
    %add3A_364 = arith.addf %add3A_363, %mul3A_361 : vector<16xf32>
    %mul3A_365 = arith.mulf %mul3A_358, %add3A_364 : vector<16xf32>
    %add3A_366 = arith.constant 4.000000e-01 : f32
    %add3A_367 = vector.broadcast %add3A_366 : f32 to vector<16xf32>
    %add3A_368 = arith.addf %add3A_367, %mul3A_365 : vector<16xf32>
    %mul3A_369 = arith.mulf %mul3A_358, %add3A_368 : vector<16xf32>
    %add3A_370 = arith.constant 0.666666686 : f32
    %add3A_371 = vector.broadcast %add3A_370 : f32 to vector<16xf32>
    %add3A_372 = arith.addf %add3A_371, %mul3A_369 : vector<16xf32>
    %mul3A_373 = arith.mulf %mul3A_358, %add3A_372 : vector<16xf32>
    %add3A_374 = arith.constant 2.000000e+00 : f32
    %add3A_375 = vector.broadcast %add3A_374 : f32 to vector<16xf32>
    %add3A_376 = arith.addf %add3A_375, %mul3A_373 : vector<16xf32>
    %mul3A_377 = arith.constant 0.693147182 : f32
    %mul3A_378 = vector.broadcast %mul3A_377 : f32 to vector<16xf32>
    %mul3A_379 = arith.mulf %convert_element_type3A_350, %mul3A_378 : vector<16xf32>
    %mul3A_380 = arith.mulf %div3A_357, %add3A_376 : vector<16xf32>
    %add3A_381 = arith.addf %mul3A_379, %mul3A_380 : vector<16xf32>
    %neg3A_382 = arith.constant 0.000000e+00 : f32
    %neg3A_383 = vector.broadcast %neg3A_382 : f32 to vector<16xf32>
    %neg3A_384 = arith.subf %neg3A_383, %add3A_381 : vector<16xf32>
    %eq3A_385 = arith.constant -100 : i32
    %eq3A_386 = vector.broadcast %eq3A_385 : i32 to vector<16xi32>
    %eq3A_387 = arith.cmpi eq, %get3A_280, %eq3A_386 : vector<16xi32>
    %jit3A_388 = arith.constant 0.000000e+00 : f32
    %broadcast_in_dim3A_389 = vector.broadcast %jit3A_388 : f32 to vector<16xf32>
    %select_n3A_390 = arith.select %eq3A_387, %broadcast_in_dim3A_389, %neg3A_384 : vector<16xi1>, vector<16xf32>
    %swap3A_391 = arith.constant 32 : index
    %swap3A_392 = tpu.vector_load %arg13[%swap3A_391] {strides = array<i32>} : memref<128xf32, #tpu.memory_space<vmem>>, vector<16xf32>,
    tpu.vector_store %arg13[%swap3A_391], %select_n3A_390 {strides = array<i32>} : memref<128xf32, #tpu.memory_space<vmem>>, vector<16xf32>,
    %iota3A_393 = tpu.iota {dimensions = array<i32: 0>} : vector<16xi32>
    %add3A_394 = arith.constant 48 : i32
    %add3A_395 = vector.broadcast %add3A_394 : i32 to vector<16xi32>
    %add3A_396 = arith.addi %add3A_395, %iota3A_393 : vector<16xi32>
    %get3A_397 = arith.constant 48 : index
    %get3A_398 = tpu.vector_load %arg7[%get3A_397] {strides = array<i32>} : memref<128xi32, #tpu.memory_space<vmem>>, vector<16xi32>,
    %get3A_399 = arith.constant 48 : index
    %get3A_400 = tpu.vector_load %arg8[%get3A_399] {strides = array<i32>} : memref<128xi32, #tpu.memory_space<vmem>>, vector<16xi32>,
    %get3A_401 = arith.constant 48 : index
    %get3A_402 = tpu.vector_load %arg9[%get3A_401] {strides = array<i32>} : memref<128xi32, #tpu.memory_space<vmem>>, vector<16xi32>,
    %gather3A_403 = tpu.vector_load_idx %arg12[%add3A_396, %add3A_396] : memref<128x128xf32, #tpu.memory_space<vmem>>[vector<16xi32>, vector<16xi32>], vector<16xf32>,
    %gather3A_404 = tpu.vector_load_idx %arg11[%get3A_400, %add3A_396] : memref<320x128xf32, #tpu.memory_space<vmem>>[vector<16xi32>, vector<16xi32>], vector<16xf32>,
    %add3A_405 = arith.constant 64 : i32
    %add3A_406 = vector.broadcast %add3A_405 : i32 to vector<16xi32>
    %add3A_407 = arith.addi %add3A_406, %get3A_402 : vector<16xi32>
    %gather3A_408 = tpu.vector_load_idx %arg11[%add3A_407, %add3A_396] : memref<320x128xf32, #tpu.memory_space<vmem>>[vector<16xi32>, vector<16xi32>], vector<16xf32>,
    %eq3A_409 = arith.constant 0 : i32
    %eq3A_410 = vector.broadcast %eq3A_409 : i32 to vector<16xi32>
    %eq3A_411 = arith.cmpi eq, %get3A_400, %eq3A_410 : vector<16xi32>
    %jit3A_412 = arith.constant 0.000000e+00 : f32
    %broadcast_in_dim3A_413 = vector.broadcast %jit3A_412 : f32 to vector<16xf32>
    %select_n3A_414 = arith.select %eq3A_411, %broadcast_in_dim3A_413, %gather3A_404 : vector<16xi1>, vector<16xf32>
    %add3A_415 = arith.constant 9.99999968E-21 : f32
    %add3A_416 = vector.broadcast %add3A_415 : f32 to vector<16xf32>
    %add3A_417 = arith.addf %select_n3A_414, %add3A_416 : vector<16xf32>
    %eq3A_418 = arith.constant 0 : i32
    %eq3A_419 = vector.broadcast %eq3A_418 : i32 to vector<16xi32>
    %eq3A_420 = arith.cmpi eq, %get3A_402, %eq3A_419 : vector<16xi32>
    %jit3A_421 = arith.constant 0.000000e+00 : f32
    %broadcast_in_dim3A_422 = vector.broadcast %jit3A_421 : f32 to vector<16xf32>
    %select_n3A_423 = arith.select %eq3A_420, %broadcast_in_dim3A_422, %gather3A_408 : vector<16xi1>, vector<16xf32>
    %add3A_424 = arith.constant 9.99999968E-21 : f32
    %add3A_425 = vector.broadcast %add3A_424 : f32 to vector<16xf32>
    %add3A_426 = arith.addf %select_n3A_423, %add3A_425 : vector<16xf32>
    %eq3A_427 = arith.constant 0 : i32
    %eq3A_428 = vector.broadcast %eq3A_427 : i32 to vector<16xi32>
    %eq3A_429 = arith.cmpi eq, %get3A_400, %eq3A_428 : vector<16xi32>
    %eq3A_430 = arith.constant 0 : i32
    %eq3A_431 = vector.broadcast %eq3A_430 : i32 to vector<16xi32>
    %eq3A_432 = arith.cmpi eq, %get3A_402, %eq3A_431 : vector<16xi32>
    %and3A_433 = arith.andi %eq3A_429, %eq3A_432 : vector<16xi1>
    %ne3A_434 = arith.constant 0 : i32
    %ne3A_435 = vector.broadcast %ne3A_434 : i32 to vector<16xi32>
    %ne3A_436 = arith.cmpi ne, %get3A_398, %ne3A_435 : vector<16xi32>
    %or3A_437 = arith.ori %and3A_433, %ne3A_436 : vector<16xi1>
    %add3A_438 = arith.addf %add3A_417, %add3A_426 : vector<16xf32>
    %jit3A_439 = arith.constant 0.000000e+00 : f32
    %broadcast_in_dim3A_440 = vector.broadcast %jit3A_439 : f32 to vector<16xf32>
    %select_n3A_441 = arith.select %or3A_437, %gather3A_403, %broadcast_in_dim3A_440 : vector<16xi1>, vector<16xf32>
    %add3A_442 = arith.addf %add3A_438, %select_n3A_441 : vector<16xf32>
    %bitcast_convert_type3A_443 = tpu.bitcast %add3A_442 : vector<16xf32> -> vector<16xi32>
    %shift_right_arithmetic3A_444 = arith.constant 23 : i32
    %shift_right_arithmetic3A_445 = vector.broadcast %shift_right_arithmetic3A_444 : i32 to vector<16xi32>
    %shift_right_arithmetic3A_446 = arith.shrsi %bitcast_convert_type3A_443, %shift_right_arithmetic3A_445 : vector<16xi32>
    %sub3A_447 = arith.constant 127 : i32
    %sub3A_448 = vector.broadcast %sub3A_447 : i32 to vector<16xi32>
    %sub3A_449 = arith.subi %shift_right_arithmetic3A_446, %sub3A_448 : vector<16xi32>
    %and3A_450 = arith.constant 8388607 : i32
    %and3A_451 = vector.broadcast %and3A_450 : i32 to vector<16xi32>
    %and3A_452 = arith.andi %bitcast_convert_type3A_443, %and3A_451 : vector<16xi32>
    %or3A_453 = arith.constant 1065353216 : i32
    %or3A_454 = vector.broadcast %or3A_453 : i32 to vector<16xi32>
    %or3A_455 = arith.ori %and3A_452, %or3A_454 : vector<16xi32>
    %bitcast_convert_type3A_456 = tpu.bitcast %or3A_455 : vector<16xi32> -> vector<16xf32>
    %gt3A_457 = arith.constant 1.41421354 : f32
    %gt3A_458 = vector.broadcast %gt3A_457 : f32 to vector<16xf32>
    %gt3A_459 = arith.cmpf ogt, %bitcast_convert_type3A_456, %gt3A_458 : vector<16xf32>
    %mul3A_460 = arith.constant 5.000000e-01 : f32
    %mul3A_461 = vector.broadcast %mul3A_460 : f32 to vector<16xf32>
    %mul3A_462 = arith.mulf %bitcast_convert_type3A_456, %mul3A_461 : vector<16xf32>
    %select_n3A_463 = arith.select %gt3A_459, %mul3A_462, %bitcast_convert_type3A_456 : vector<16xi1>, vector<16xf32>
    %add3A_464 = arith.constant 1 : i32
    %add3A_465 = vector.broadcast %add3A_464 : i32 to vector<16xi32>
    %add3A_466 = arith.addi %sub3A_449, %add3A_465 : vector<16xi32>
    %select_n3A_467 = arith.select %gt3A_459, %add3A_466, %sub3A_449 : vector<16xi1>, vector<16xi32>
    %convert_element_type3A_468 = arith.sitofp %select_n3A_467 : vector<16xi32> to vector<16xf32>
    %sub3A_469 = arith.constant 1.000000e+00 : f32
    %sub3A_470 = vector.broadcast %sub3A_469 : f32 to vector<16xf32>
    %sub3A_471 = arith.subf %select_n3A_463, %sub3A_470 : vector<16xf32>
    %add3A_472 = arith.constant 1.000000e+00 : f32
    %add3A_473 = vector.broadcast %add3A_472 : f32 to vector<16xf32>
    %add3A_474 = arith.addf %select_n3A_463, %add3A_473 : vector<16xf32>
    %div3A_475 = arith.divf %sub3A_471, %add3A_474 : vector<16xf32>
    %mul3A_476 = arith.mulf %div3A_475, %div3A_475 : vector<16xf32>
    %mul3A_477 = arith.constant 0.222222224 : f32
    %mul3A_478 = vector.broadcast %mul3A_477 : f32 to vector<16xf32>
    %mul3A_479 = arith.mulf %mul3A_476, %mul3A_478 : vector<16xf32>
    %add3A_480 = arith.constant 0.285714298 : f32
    %add3A_481 = vector.broadcast %add3A_480 : f32 to vector<16xf32>
    %add3A_482 = arith.addf %add3A_481, %mul3A_479 : vector<16xf32>
    %mul3A_483 = arith.mulf %mul3A_476, %add3A_482 : vector<16xf32>
    %add3A_484 = arith.constant 4.000000e-01 : f32
    %add3A_485 = vector.broadcast %add3A_484 : f32 to vector<16xf32>
    %add3A_486 = arith.addf %add3A_485, %mul3A_483 : vector<16xf32>
    %mul3A_487 = arith.mulf %mul3A_476, %add3A_486 : vector<16xf32>
    %add3A_488 = arith.constant 0.666666686 : f32
    %add3A_489 = vector.broadcast %add3A_488 : f32 to vector<16xf32>
    %add3A_490 = arith.addf %add3A_489, %mul3A_487 : vector<16xf32>
    %mul3A_491 = arith.mulf %mul3A_476, %add3A_490 : vector<16xf32>
    %add3A_492 = arith.constant 2.000000e+00 : f32
    %add3A_493 = vector.broadcast %add3A_492 : f32 to vector<16xf32>
    %add3A_494 = arith.addf %add3A_493, %mul3A_491 : vector<16xf32>
    %mul3A_495 = arith.constant 0.693147182 : f32
    %mul3A_496 = vector.broadcast %mul3A_495 : f32 to vector<16xf32>
    %mul3A_497 = arith.mulf %convert_element_type3A_468, %mul3A_496 : vector<16xf32>
    %mul3A_498 = arith.mulf %div3A_475, %add3A_494 : vector<16xf32>
    %add3A_499 = arith.addf %mul3A_497, %mul3A_498 : vector<16xf32>
    %neg3A_500 = arith.constant 0.000000e+00 : f32
    %neg3A_501 = vector.broadcast %neg3A_500 : f32 to vector<16xf32>
    %neg3A_502 = arith.subf %neg3A_501, %add3A_499 : vector<16xf32>
    %eq3A_503 = arith.constant -100 : i32
    %eq3A_504 = vector.broadcast %eq3A_503 : i32 to vector<16xi32>
    %eq3A_505 = arith.cmpi eq, %get3A_398, %eq3A_504 : vector<16xi32>
    %jit3A_506 = arith.constant 0.000000e+00 : f32
    %broadcast_in_dim3A_507 = vector.broadcast %jit3A_506 : f32 to vector<16xf32>
    %select_n3A_508 = arith.select %eq3A_505, %broadcast_in_dim3A_507, %neg3A_502 : vector<16xi1>, vector<16xf32>
    %swap3A_509 = arith.constant 48 : index
    %swap3A_510 = tpu.vector_load %arg13[%swap3A_509] {strides = array<i32>} : memref<128xf32, #tpu.memory_space<vmem>>, vector<16xf32>,
    tpu.vector_store %arg13[%swap3A_509], %select_n3A_508 {strides = array<i32>} : memref<128xf32, #tpu.memory_space<vmem>>, vector<16xf32>,
    %iota3A_511 = tpu.iota {dimensions = array<i32: 0>} : vector<16xi32>
    %add3A_512 = arith.constant 64 : i32
    %add3A_513 = vector.broadcast %add3A_512 : i32 to vector<16xi32>
    %add3A_514 = arith.addi %add3A_513, %iota3A_511 : vector<16xi32>
    %get3A_515 = arith.constant 64 : index
    %get3A_516 = tpu.vector_load %arg7[%get3A_515] {strides = array<i32>} : memref<128xi32, #tpu.memory_space<vmem>>, vector<16xi32>,
    %get3A_517 = arith.constant 64 : index
    %get3A_518 = tpu.vector_load %arg8[%get3A_517] {strides = array<i32>} : memref<128xi32, #tpu.memory_space<vmem>>, vector<16xi32>,
    %get3A_519 = arith.constant 64 : index
    %get3A_520 = tpu.vector_load %arg9[%get3A_519] {strides = array<i32>} : memref<128xi32, #tpu.memory_space<vmem>>, vector<16xi32>,
    %gather3A_521 = tpu.vector_load_idx %arg12[%add3A_514, %add3A_514] : memref<128x128xf32, #tpu.memory_space<vmem>>[vector<16xi32>, vector<16xi32>], vector<16xf32>,
    %gather3A_522 = tpu.vector_load_idx %arg11[%get3A_518, %add3A_514] : memref<320x128xf32, #tpu.memory_space<vmem>>[vector<16xi32>, vector<16xi32>], vector<16xf32>,
    %add3A_523 = arith.constant 64 : i32
    %add3A_524 = vector.broadcast %add3A_523 : i32 to vector<16xi32>
    %add3A_525 = arith.addi %add3A_524, %get3A_520 : vector<16xi32>
    %gather3A_526 = tpu.vector_load_idx %arg11[%add3A_525, %add3A_514] : memref<320x128xf32, #tpu.memory_space<vmem>>[vector<16xi32>, vector<16xi32>], vector<16xf32>,
    %eq3A_527 = arith.constant 0 : i32
    %eq3A_528 = vector.broadcast %eq3A_527 : i32 to vector<16xi32>
    %eq3A_529 = arith.cmpi eq, %get3A_518, %eq3A_528 : vector<16xi32>
    %jit3A_530 = arith.constant 0.000000e+00 : f32
    %broadcast_in_dim3A_531 = vector.broadcast %jit3A_530 : f32 to vector<16xf32>
    %select_n3A_532 = arith.select %eq3A_529, %broadcast_in_dim3A_531, %gather3A_522 : vector<16xi1>, vector<16xf32>
    %add3A_533 = arith.constant 9.99999968E-21 : f32
    %add3A_534 = vector.broadcast %add3A_533 : f32 to vector<16xf32>
    %add3A_535 = arith.addf %select_n3A_532, %add3A_534 : vector<16xf32>
    %eq3A_536 = arith.constant 0 : i32
    %eq3A_537 = vector.broadcast %eq3A_536 : i32 to vector<16xi32>
    %eq3A_538 = arith.cmpi eq, %get3A_520, %eq3A_537 : vector<16xi32>
    %jit3A_539 = arith.constant 0.000000e+00 : f32
    %broadcast_in_dim3A_540 = vector.broadcast %jit3A_539 : f32 to vector<16xf32>
    %select_n3A_541 = arith.select %eq3A_538, %broadcast_in_dim3A_540, %gather3A_526 : vector<16xi1>, vector<16xf32>
    %add3A_542 = arith.constant 9.99999968E-21 : f32
    %add3A_543 = vector.broadcast %add3A_542 : f32 to vector<16xf32>
    %add3A_544 = arith.addf %select_n3A_541, %add3A_543 : vector<16xf32>
    %eq3A_545 = arith.constant 0 : i32
    %eq3A_546 = vector.broadcast %eq3A_545 : i32 to vector<16xi32>
    %eq3A_547 = arith.cmpi eq, %get3A_518, %eq3A_546 : vector<16xi32>
    %eq3A_548 = arith.constant 0 : i32
    %eq3A_549 = vector.broadcast %eq3A_548 : i32 to vector<16xi32>
    %eq3A_550 = arith.cmpi eq, %get3A_520, %eq3A_549 : vector<16xi32>
    %and3A_551 = arith.andi %eq3A_547, %eq3A_550 : vector<16xi1>
    %ne3A_552 = arith.constant 0 : i32
    %ne3A_553 = vector.broadcast %ne3A_552 : i32 to vector<16xi32>
    %ne3A_554 = arith.cmpi ne, %get3A_516, %ne3A_553 : vector<16xi32>
    %or3A_555 = arith.ori %and3A_551, %ne3A_554 : vector<16xi1>
    %add3A_556 = arith.addf %add3A_535, %add3A_544 : vector<16xf32>
    %jit3A_557 = arith.constant 0.000000e+00 : f32
    %broadcast_in_dim3A_558 = vector.broadcast %jit3A_557 : f32 to vector<16xf32>
    %select_n3A_559 = arith.select %or3A_555, %gather3A_521, %broadcast_in_dim3A_558 : vector<16xi1>, vector<16xf32>
    %add3A_560 = arith.addf %add3A_556, %select_n3A_559 : vector<16xf32>
    %bitcast_convert_type3A_561 = tpu.bitcast %add3A_560 : vector<16xf32> -> vector<16xi32>
    %shift_right_arithmetic3A_562 = arith.constant 23 : i32
    %shift_right_arithmetic3A_563 = vector.broadcast %shift_right_arithmetic3A_562 : i32 to vector<16xi32>
    %shift_right_arithmetic3A_564 = arith.shrsi %bitcast_convert_type3A_561, %shift_right_arithmetic3A_563 : vector<16xi32>
    %sub3A_565 = arith.constant 127 : i32
    %sub3A_566 = vector.broadcast %sub3A_565 : i32 to vector<16xi32>
    %sub3A_567 = arith.subi %shift_right_arithmetic3A_564, %sub3A_566 : vector<16xi32>
    %and3A_568 = arith.constant 8388607 : i32
    %and3A_569 = vector.broadcast %and3A_568 : i32 to vector<16xi32>
    %and3A_570 = arith.andi %bitcast_convert_type3A_561, %and3A_569 : vector<16xi32>
    %or3A_571 = arith.constant 1065353216 : i32
    %or3A_572 = vector.broadcast %or3A_571 : i32 to vector<16xi32>
    %or3A_573 = arith.ori %and3A_570, %or3A_572 : vector<16xi32>
    %bitcast_convert_type3A_574 = tpu.bitcast %or3A_573 : vector<16xi32> -> vector<16xf32>
    %gt3A_575 = arith.constant 1.41421354 : f32
    %gt3A_576 = vector.broadcast %gt3A_575 : f32 to vector<16xf32>
    %gt3A_577 = arith.cmpf ogt, %bitcast_convert_type3A_574, %gt3A_576 : vector<16xf32>
    %mul3A_578 = arith.constant 5.000000e-01 : f32
    %mul3A_579 = vector.broadcast %mul3A_578 : f32 to vector<16xf32>
    %mul3A_580 = arith.mulf %bitcast_convert_type3A_574, %mul3A_579 : vector<16xf32>
    %select_n3A_581 = arith.select %gt3A_577, %mul3A_580, %bitcast_convert_type3A_574 : vector<16xi1>, vector<16xf32>
    %add3A_582 = arith.constant 1 : i32
    %add3A_583 = vector.broadcast %add3A_582 : i32 to vector<16xi32>
    %add3A_584 = arith.addi %sub3A_567, %add3A_583 : vector<16xi32>
    %select_n3A_585 = arith.select %gt3A_577, %add3A_584, %sub3A_567 : vector<16xi1>, vector<16xi32>
    %convert_element_type3A_586 = arith.sitofp %select_n3A_585 : vector<16xi32> to vector<16xf32>
    %sub3A_587 = arith.constant 1.000000e+00 : f32
    %sub3A_588 = vector.broadcast %sub3A_587 : f32 to vector<16xf32>
    %sub3A_589 = arith.subf %select_n3A_581, %sub3A_588 : vector<16xf32>
    %add3A_590 = arith.constant 1.000000e+00 : f32
    %add3A_591 = vector.broadcast %add3A_590 : f32 to vector<16xf32>
    %add3A_592 = arith.addf %select_n3A_581, %add3A_591 : vector<16xf32>
    %div3A_593 = arith.divf %sub3A_589, %add3A_592 : vector<16xf32>
    %mul3A_594 = arith.mulf %div3A_593, %div3A_593 : vector<16xf32>
    %mul3A_595 = arith.constant 0.222222224 : f32
    %mul3A_596 = vector.broadcast %mul3A_595 : f32 to vector<16xf32>
    %mul3A_597 = arith.mulf %mul3A_594, %mul3A_596 : vector<16xf32>
    %add3A_598 = arith.constant 0.285714298 : f32
    %add3A_599 = vector.broadcast %add3A_598 : f32 to vector<16xf32>
    %add3A_600 = arith.addf %add3A_599, %mul3A_597 : vector<16xf32>
    %mul3A_601 = arith.mulf %mul3A_594, %add3A_600 : vector<16xf32>
    %add3A_602 = arith.constant 4.000000e-01 : f32
    %add3A_603 = vector.broadcast %add3A_602 : f32 to vector<16xf32>
    %add3A_604 = arith.addf %add3A_603, %mul3A_601 : vector<16xf32>
    %mul3A_605 = arith.mulf %mul3A_594, %add3A_604 : vector<16xf32>
    %add3A_606 = arith.constant 0.666666686 : f32
    %add3A_607 = vector.broadcast %add3A_606 : f32 to vector<16xf32>
    %add3A_608 = arith.addf %add3A_607, %mul3A_605 : vector<16xf32>
    %mul3A_609 = arith.mulf %mul3A_594, %add3A_608 : vector<16xf32>
    %add3A_610 = arith.constant 2.000000e+00 : f32
    %add3A_611 = vector.broadcast %add3A_610 : f32 to vector<16xf32>
    %add3A_612 = arith.addf %add3A_611, %mul3A_609 : vector<16xf32>
    %mul3A_613 = arith.constant 0.693147182 : f32
    %mul3A_614 = vector.broadcast %mul3A_613 : f32 to vector<16xf32>
    %mul3A_615 = arith.mulf %convert_element_type3A_586, %mul3A_614 : vector<16xf32>
    %mul3A_616 = arith.mulf %div3A_593, %add3A_612 : vector<16xf32>
    %add3A_617 = arith.addf %mul3A_615, %mul3A_616 : vector<16xf32>
    %neg3A_618 = arith.constant 0.000000e+00 : f32
    %neg3A_619 = vector.broadcast %neg3A_618 : f32 to vector<16xf32>
    %neg3A_620 = arith.subf %neg3A_619, %add3A_617 : vector<16xf32>
    %eq3A_621 = arith.constant -100 : i32
    %eq3A_622 = vector.broadcast %eq3A_621 : i32 to vector<16xi32>
    %eq3A_623 = arith.cmpi eq, %get3A_516, %eq3A_622 : vector<16xi32>
    %jit3A_624 = arith.constant 0.000000e+00 : f32
    %broadcast_in_dim3A_625 = vector.broadcast %jit3A_624 : f32 to vector<16xf32>
    %select_n3A_626 = arith.select %eq3A_623, %broadcast_in_dim3A_625, %neg3A_620 : vector<16xi1>, vector<16xf32>
    %swap3A_627 = arith.constant 64 : index
    %swap3A_628 = tpu.vector_load %arg13[%swap3A_627] {strides = array<i32>} : memref<128xf32, #tpu.memory_space<vmem>>, vector<16xf32>,
    tpu.vector_store %arg13[%swap3A_627], %select_n3A_626 {strides = array<i32>} : memref<128xf32, #tpu.memory_space<vmem>>, vector<16xf32>,
    %iota3A_629 = tpu.iota {dimensions = array<i32: 0>} : vector<16xi32>
    %add3A_630 = arith.constant 80 : i32
    %add3A_631 = vector.broadcast %add3A_630 : i32 to vector<16xi32>
    %add3A_632 = arith.addi %add3A_631, %iota3A_629 : vector<16xi32>
    %get3A_633 = arith.constant 80 : index
    %get3A_634 = tpu.vector_load %arg7[%get3A_633] {strides = array<i32>} : memref<128xi32, #tpu.memory_space<vmem>>, vector<16xi32>,
    %get3A_635 = arith.constant 80 : index
    %get3A_636 = tpu.vector_load %arg8[%get3A_635] {strides = array<i32>} : memref<128xi32, #tpu.memory_space<vmem>>, vector<16xi32>,
    %get3A_637 = arith.constant 80 : index
    %get3A_638 = tpu.vector_load %arg9[%get3A_637] {strides = array<i32>} : memref<128xi32, #tpu.memory_space<vmem>>, vector<16xi32>,
    %gather3A_639 = tpu.vector_load_idx %arg12[%add3A_632, %add3A_632] : memref<128x128xf32, #tpu.memory_space<vmem>>[vector<16xi32>, vector<16xi32>], vector<16xf32>,
    %gather3A_640 = tpu.vector_load_idx %arg11[%get3A_636, %add3A_632] : memref<320x128xf32, #tpu.memory_space<vmem>>[vector<16xi32>, vector<16xi32>], vector<16xf32>,
    %add3A_641 = arith.constant 64 : i32
    %add3A_642 = vector.broadcast %add3A_641 : i32 to vector<16xi32>
    %add3A_643 = arith.addi %add3A_642, %get3A_638 : vector<16xi32>
    %gather3A_644 = tpu.vector_load_idx %arg11[%add3A_643, %add3A_632] : memref<320x128xf32, #tpu.memory_space<vmem>>[vector<16xi32>, vector<16xi32>], vector<16xf32>,
    %eq3A_645 = arith.constant 0 : i32
    %eq3A_646 = vector.broadcast %eq3A_645 : i32 to vector<16xi32>
    %eq3A_647 = arith.cmpi eq, %get3A_636, %eq3A_646 : vector<16xi32>
    %jit3A_648 = arith.constant 0.000000e+00 : f32
    %broadcast_in_dim3A_649 = vector.broadcast %jit3A_648 : f32 to vector<16xf32>
    %select_n3A_650 = arith.select %eq3A_647, %broadcast_in_dim3A_649, %gather3A_640 : vector<16xi1>, vector<16xf32>
    %add3A_651 = arith.constant 9.99999968E-21 : f32
    %add3A_652 = vector.broadcast %add3A_651 : f32 to vector<16xf32>
    %add3A_653 = arith.addf %select_n3A_650, %add3A_652 : vector<16xf32>
    %eq3A_654 = arith.constant 0 : i32
    %eq3A_655 = vector.broadcast %eq3A_654 : i32 to vector<16xi32>
    %eq3A_656 = arith.cmpi eq, %get3A_638, %eq3A_655 : vector<16xi32>
    %jit3A_657 = arith.constant 0.000000e+00 : f32
    %broadcast_in_dim3A_658 = vector.broadcast %jit3A_657 : f32 to vector<16xf32>
    %select_n3A_659 = arith.select %eq3A_656, %broadcast_in_dim3A_658, %gather3A_644 : vector<16xi1>, vector<16xf32>
    %add3A_660 = arith.constant 9.99999968E-21 : f32
    %add3A_661 = vector.broadcast %add3A_660 : f32 to vector<16xf32>
    %add3A_662 = arith.addf %select_n3A_659, %add3A_661 : vector<16xf32>
    %eq3A_663 = arith.constant 0 : i32
    %eq3A_664 = vector.broadcast %eq3A_663 : i32 to vector<16xi32>
    %eq3A_665 = arith.cmpi eq, %get3A_636, %eq3A_664 : vector<16xi32>
    %eq3A_666 = arith.constant 0 : i32
    %eq3A_667 = vector.broadcast %eq3A_666 : i32 to vector<16xi32>
    %eq3A_668 = arith.cmpi eq, %get3A_638, %eq3A_667 : vector<16xi32>
    %and3A_669 = arith.andi %eq3A_665, %eq3A_668 : vector<16xi1>
    %ne3A_670 = arith.constant 0 : i32
    %ne3A_671 = vector.broadcast %ne3A_670 : i32 to vector<16xi32>
    %ne3A_672 = arith.cmpi ne, %get3A_634, %ne3A_671 : vector<16xi32>
    %or3A_673 = arith.ori %and3A_669, %ne3A_672 : vector<16xi1>
    %add3A_674 = arith.addf %add3A_653, %add3A_662 : vector<16xf32>
    %jit3A_675 = arith.constant 0.000000e+00 : f32
    %broadcast_in_dim3A_676 = vector.broadcast %jit3A_675 : f32 to vector<16xf32>
    %select_n3A_677 = arith.select %or3A_673, %gather3A_639, %broadcast_in_dim3A_676 : vector<16xi1>, vector<16xf32>
    %add3A_678 = arith.addf %add3A_674, %select_n3A_677 : vector<16xf32>
    %bitcast_convert_type3A_679 = tpu.bitcast %add3A_678 : vector<16xf32> -> vector<16xi32>
    %shift_right_arithmetic3A_680 = arith.constant 23 : i32
    %shift_right_arithmetic3A_681 = vector.broadcast %shift_right_arithmetic3A_680 : i32 to vector<16xi32>
    %shift_right_arithmetic3A_682 = arith.shrsi %bitcast_convert_type3A_679, %shift_right_arithmetic3A_681 : vector<16xi32>
    %sub3A_683 = arith.constant 127 : i32
    %sub3A_684 = vector.broadcast %sub3A_683 : i32 to vector<16xi32>
    %sub3A_685 = arith.subi %shift_right_arithmetic3A_682, %sub3A_684 : vector<16xi32>
    %and3A_686 = arith.constant 8388607 : i32
    %and3A_687 = vector.broadcast %and3A_686 : i32 to vector<16xi32>
    %and3A_688 = arith.andi %bitcast_convert_type3A_679, %and3A_687 : vector<16xi32>
    %or3A_689 = arith.constant 1065353216 : i32
    %or3A_690 = vector.broadcast %or3A_689 : i32 to vector<16xi32>
    %or3A_691 = arith.ori %and3A_688, %or3A_690 : vector<16xi32>
    %bitcast_convert_type3A_692 = tpu.bitcast %or3A_691 : vector<16xi32> -> vector<16xf32>
    %gt3A_693 = arith.constant 1.41421354 : f32
    %gt3A_694 = vector.broadcast %gt3A_693 : f32 to vector<16xf32>
    %gt3A_695 = arith.cmpf ogt, %bitcast_convert_type3A_692, %gt3A_694 : vector<16xf32>
    %mul3A_696 = arith.constant 5.000000e-01 : f32
    %mul3A_697 = vector.broadcast %mul3A_696 : f32 to vector<16xf32>
    %mul3A_698 = arith.mulf %bitcast_convert_type3A_692, %mul3A_697 : vector<16xf32>
    %select_n3A_699 = arith.select %gt3A_695, %mul3A_698, %bitcast_convert_type3A_692 : vector<16xi1>, vector<16xf32>
    %add3A_700 = arith.constant 1 : i32
    %add3A_701 = vector.broadcast %add3A_700 : i32 to vector<16xi32>
    %add3A_702 = arith.addi %sub3A_685, %add3A_701 : vector<16xi32>
    %select_n3A_703 = arith.select %gt3A_695, %add3A_702, %sub3A_685 : vector<16xi1>, vector<16xi32>
    %convert_element_type3A_704 = arith.sitofp %select_n3A_703 : vector<16xi32> to vector<16xf32>
    %sub3A_705 = arith.constant 1.000000e+00 : f32
    %sub3A_706 = vector.broadcast %sub3A_705 : f32 to vector<16xf32>
    %sub3A_707 = arith.subf %select_n3A_699, %sub3A_706 : vector<16xf32>
    %add3A_708 = arith.constant 1.000000e+00 : f32
    %add3A_709 = vector.broadcast %add3A_708 : f32 to vector<16xf32>
    %add3A_710 = arith.addf %select_n3A_699, %add3A_709 : vector<16xf32>
    %div3A_711 = arith.divf %sub3A_707, %add3A_710 : vector<16xf32>
    %mul3A_712 = arith.mulf %div3A_711, %div3A_711 : vector<16xf32>
    %mul3A_713 = arith.constant 0.222222224 : f32
    %mul3A_714 = vector.broadcast %mul3A_713 : f32 to vector<16xf32>
    %mul3A_715 = arith.mulf %mul3A_712, %mul3A_714 : vector<16xf32>
    %add3A_716 = arith.constant 0.285714298 : f32
    %add3A_717 = vector.broadcast %add3A_716 : f32 to vector<16xf32>
    %add3A_718 = arith.addf %add3A_717, %mul3A_715 : vector<16xf32>
    %mul3A_719 = arith.mulf %mul3A_712, %add3A_718 : vector<16xf32>
    %add3A_720 = arith.constant 4.000000e-01 : f32
    %add3A_721 = vector.broadcast %add3A_720 : f32 to vector<16xf32>
    %add3A_722 = arith.addf %add3A_721, %mul3A_719 : vector<16xf32>
    %mul3A_723 = arith.mulf %mul3A_712, %add3A_722 : vector<16xf32>
    %add3A_724 = arith.constant 0.666666686 : f32
    %add3A_725 = vector.broadcast %add3A_724 : f32 to vector<16xf32>
    %add3A_726 = arith.addf %add3A_725, %mul3A_723 : vector<16xf32>
    %mul3A_727 = arith.mulf %mul3A_712, %add3A_726 : vector<16xf32>
    %add3A_728 = arith.constant 2.000000e+00 : f32
    %add3A_729 = vector.broadcast %add3A_728 : f32 to vector<16xf32>
    %add3A_730 = arith.addf %add3A_729, %mul3A_727 : vector<16xf32>
    %mul3A_731 = arith.constant 0.693147182 : f32
    %mul3A_732 = vector.broadcast %mul3A_731 : f32 to vector<16xf32>
    %mul3A_733 = arith.mulf %convert_element_type3A_704, %mul3A_732 : vector<16xf32>
    %mul3A_734 = arith.mulf %div3A_711, %add3A_730 : vector<16xf32>
    %add3A_735 = arith.addf %mul3A_733, %mul3A_734 : vector<16xf32>
    %neg3A_736 = arith.constant 0.000000e+00 : f32
    %neg3A_737 = vector.broadcast %neg3A_736 : f32 to vector<16xf32>
    %neg3A_738 = arith.subf %neg3A_737, %add3A_735 : vector<16xf32>
    %eq3A_739 = arith.constant -100 : i32
    %eq3A_740 = vector.broadcast %eq3A_739 : i32 to vector<16xi32>
    %eq3A_741 = arith.cmpi eq, %get3A_634, %eq3A_740 : vector<16xi32>
    %jit3A_742 = arith.constant 0.000000e+00 : f32
    %broadcast_in_dim3A_743 = vector.broadcast %jit3A_742 : f32 to vector<16xf32>
    %select_n3A_744 = arith.select %eq3A_741, %broadcast_in_dim3A_743, %neg3A_738 : vector<16xi1>, vector<16xf32>
    %swap3A_745 = arith.constant 80 : index
    %swap3A_746 = tpu.vector_load %arg13[%swap3A_745] {strides = array<i32>} : memref<128xf32, #tpu.memory_space<vmem>>, vector<16xf32>,
    tpu.vector_store %arg13[%swap3A_745], %select_n3A_744 {strides = array<i32>} : memref<128xf32, #tpu.memory_space<vmem>>, vector<16xf32>,
    %iota3A_747 = tpu.iota {dimensions = array<i32: 0>} : vector<16xi32>
    %add3A_748 = arith.constant 96 : i32
    %add3A_749 = vector.broadcast %add3A_748 : i32 to vector<16xi32>
    %add3A_750 = arith.addi %add3A_749, %iota3A_747 : vector<16xi32>
    %get3A_751 = arith.constant 96 : index
    %get3A_752 = tpu.vector_load %arg7[%get3A_751] {strides = array<i32>} : memref<128xi32, #tpu.memory_space<vmem>>, vector<16xi32>,
    %get3A_753 = arith.constant 96 : index
    %get3A_754 = tpu.vector_load %arg8[%get3A_753] {strides = array<i32>} : memref<128xi32, #tpu.memory_space<vmem>>, vector<16xi32>,
    %get3A_755 = arith.constant 96 : index
    %get3A_756 = tpu.vector_load %arg9[%get3A_755] {strides = array<i32>} : memref<128xi32, #tpu.memory_space<vmem>>, vector<16xi32>,
    %gather3A_757 = tpu.vector_load_idx %arg12[%add3A_750, %add3A_750] : memref<128x128xf32, #tpu.memory_space<vmem>>[vector<16xi32>, vector<16xi32>], vector<16xf32>,
    %gather3A_758 = tpu.vector_load_idx %arg11[%get3A_754, %add3A_750] : memref<320x128xf32, #tpu.memory_space<vmem>>[vector<16xi32>, vector<16xi32>], vector<16xf32>,
    %add3A_759 = arith.constant 64 : i32
    %add3A_760 = vector.broadcast %add3A_759 : i32 to vector<16xi32>
    %add3A_761 = arith.addi %add3A_760, %get3A_756 : vector<16xi32>
    %gather3A_762 = tpu.vector_load_idx %arg11[%add3A_761, %add3A_750] : memref<320x128xf32, #tpu.memory_space<vmem>>[vector<16xi32>, vector<16xi32>], vector<16xf32>,
    %eq3A_763 = arith.constant 0 : i32
    %eq3A_764 = vector.broadcast %eq3A_763 : i32 to vector<16xi32>
    %eq3A_765 = arith.cmpi eq, %get3A_754, %eq3A_764 : vector<16xi32>
    %jit3A_766 = arith.constant 0.000000e+00 : f32
    %broadcast_in_dim3A_767 = vector.broadcast %jit3A_766 : f32 to vector<16xf32>
    %select_n3A_768 = arith.select %eq3A_765, %broadcast_in_dim3A_767, %gather3A_758 : vector<16xi1>, vector<16xf32>
    %add3A_769 = arith.constant 9.99999968E-21 : f32
    %add3A_770 = vector.broadcast %add3A_769 : f32 to vector<16xf32>
    %add3A_771 = arith.addf %select_n3A_768, %add3A_770 : vector<16xf32>
    %eq3A_772 = arith.constant 0 : i32
    %eq3A_773 = vector.broadcast %eq3A_772 : i32 to vector<16xi32>
    %eq3A_774 = arith.cmpi eq, %get3A_756, %eq3A_773 : vector<16xi32>
    %jit3A_775 = arith.constant 0.000000e+00 : f32
    %broadcast_in_dim3A_776 = vector.broadcast %jit3A_775 : f32 to vector<16xf32>
    %select_n3A_777 = arith.select %eq3A_774, %broadcast_in_dim3A_776, %gather3A_762 : vector<16xi1>, vector<16xf32>
    %add3A_778 = arith.constant 9.99999968E-21 : f32
    %add3A_779 = vector.broadcast %add3A_778 : f32 to vector<16xf32>
    %add3A_780 = arith.addf %select_n3A_777, %add3A_779 : vector<16xf32>
    %eq3A_781 = arith.constant 0 : i32
    %eq3A_782 = vector.broadcast %eq3A_781 : i32 to vector<16xi32>
    %eq3A_783 = arith.cmpi eq, %get3A_754, %eq3A_782 : vector<16xi32>
    %eq3A_784 = arith.constant 0 : i32
    %eq3A_785 = vector.broadcast %eq3A_784 : i32 to vector<16xi32>
    %eq3A_786 = arith.cmpi eq, %get3A_756, %eq3A_785 : vector<16xi32>
    %and3A_787 = arith.andi %eq3A_783, %eq3A_786 : vector<16xi1>
    %ne3A_788 = arith.constant 0 : i32
    %ne3A_789 = vector.broadcast %ne3A_788 : i32 to vector<16xi32>
    %ne3A_790 = arith.cmpi ne, %get3A_752, %ne3A_789 : vector<16xi32>
    %or3A_791 = arith.ori %and3A_787, %ne3A_790 : vector<16xi1>
    %add3A_792 = arith.addf %add3A_771, %add3A_780 : vector<16xf32>
    %jit3A_793 = arith.constant 0.000000e+00 : f32
    %broadcast_in_dim3A_794 = vector.broadcast %jit3A_793 : f32 to vector<16xf32>
    %select_n3A_795 = arith.select %or3A_791, %gather3A_757, %broadcast_in_dim3A_794 : vector<16xi1>, vector<16xf32>
    %add3A_796 = arith.addf %add3A_792, %select_n3A_795 : vector<16xf32>
    %bitcast_convert_type3A_797 = tpu.bitcast %add3A_796 : vector<16xf32> -> vector<16xi32>
    %shift_right_arithmetic3A_798 = arith.constant 23 : i32
    %shift_right_arithmetic3A_799 = vector.broadcast %shift_right_arithmetic3A_798 : i32 to vector<16xi32>
    %shift_right_arithmetic3A_800 = arith.shrsi %bitcast_convert_type3A_797, %shift_right_arithmetic3A_799 : vector<16xi32>
    %sub3A_801 = arith.constant 127 : i32
    %sub3A_802 = vector.broadcast %sub3A_801 : i32 to vector<16xi32>
    %sub3A_803 = arith.subi %shift_right_arithmetic3A_800, %sub3A_802 : vector<16xi32>
    %and3A_804 = arith.constant 8388607 : i32
    %and3A_805 = vector.broadcast %and3A_804 : i32 to vector<16xi32>
    %and3A_806 = arith.andi %bitcast_convert_type3A_797, %and3A_805 : vector<16xi32>
    %or3A_807 = arith.constant 1065353216 : i32
    %or3A_808 = vector.broadcast %or3A_807 : i32 to vector<16xi32>
    %or3A_809 = arith.ori %and3A_806, %or3A_808 : vector<16xi32>
    %bitcast_convert_type3A_810 = tpu.bitcast %or3A_809 : vector<16xi32> -> vector<16xf32>
    %gt3A_811 = arith.constant 1.41421354 : f32
    %gt3A_812 = vector.broadcast %gt3A_811 : f32 to vector<16xf32>
    %gt3A_813 = arith.cmpf ogt, %bitcast_convert_type3A_810, %gt3A_812 : vector<16xf32>
    %mul3A_814 = arith.constant 5.000000e-01 : f32
    %mul3A_815 = vector.broadcast %mul3A_814 : f32 to vector<16xf32>
    %mul3A_816 = arith.mulf %bitcast_convert_type3A_810, %mul3A_815 : vector<16xf32>
    %select_n3A_817 = arith.select %gt3A_813, %mul3A_816, %bitcast_convert_type3A_810 : vector<16xi1>, vector<16xf32>
    %add3A_818 = arith.constant 1 : i32
    %add3A_819 = vector.broadcast %add3A_818 : i32 to vector<16xi32>
    %add3A_820 = arith.addi %sub3A_803, %add3A_819 : vector<16xi32>
    %select_n3A_821 = arith.select %gt3A_813, %add3A_820, %sub3A_803 : vector<16xi1>, vector<16xi32>
    %convert_element_type3A_822 = arith.sitofp %select_n3A_821 : vector<16xi32> to vector<16xf32>
    %sub3A_823 = arith.constant 1.000000e+00 : f32
    %sub3A_824 = vector.broadcast %sub3A_823 : f32 to vector<16xf32>
    %sub3A_825 = arith.subf %select_n3A_817, %sub3A_824 : vector<16xf32>
    %add3A_826 = arith.constant 1.000000e+00 : f32
    %add3A_827 = vector.broadcast %add3A_826 : f32 to vector<16xf32>
    %add3A_828 = arith.addf %select_n3A_817, %add3A_827 : vector<16xf32>
    %div3A_829 = arith.divf %sub3A_825, %add3A_828 : vector<16xf32>
    %mul3A_830 = arith.mulf %div3A_829, %div3A_829 : vector<16xf32>
    %mul3A_831 = arith.constant 0.222222224 : f32
    %mul3A_832 = vector.broadcast %mul3A_831 : f32 to vector<16xf32>
    %mul3A_833 = arith.mulf %mul3A_830, %mul3A_832 : vector<16xf32>
    %add3A_834 = arith.constant 0.285714298 : f32
    %add3A_835 = vector.broadcast %add3A_834 : f32 to vector<16xf32>
    %add3A_836 = arith.addf %add3A_835, %mul3A_833 : vector<16xf32>
    %mul3A_837 = arith.mulf %mul3A_830, %add3A_836 : vector<16xf32>
    %add3A_838 = arith.constant 4.000000e-01 : f32
    %add3A_839 = vector.broadcast %add3A_838 : f32 to vector<16xf32>
    %add3A_840 = arith.addf %add3A_839, %mul3A_837 : vector<16xf32>
    %mul3A_841 = arith.mulf %mul3A_830, %add3A_840 : vector<16xf32>
    %add3A_842 = arith.constant 0.666666686 : f32
    %add3A_843 = vector.broadcast %add3A_842 : f32 to vector<16xf32>
    %add3A_844 = arith.addf %add3A_843, %mul3A_841 : vector<16xf32>
    %mul3A_845 = arith.mulf %mul3A_830, %add3A_844 : vector<16xf32>
    %add3A_846 = arith.constant 2.000000e+00 : f32
    %add3A_847 = vector.broadcast %add3A_846 : f32 to vector<16xf32>
    %add3A_848 = arith.addf %add3A_847, %mul3A_845 : vector<16xf32>
    %mul3A_849 = arith.constant 0.693147182 : f32
    %mul3A_850 = vector.broadcast %mul3A_849 : f32 to vector<16xf32>
    %mul3A_851 = arith.mulf %convert_element_type3A_822, %mul3A_850 : vector<16xf32>
    %mul3A_852 = arith.mulf %div3A_829, %add3A_848 : vector<16xf32>
    %add3A_853 = arith.addf %mul3A_851, %mul3A_852 : vector<16xf32>
    %neg3A_854 = arith.constant 0.000000e+00 : f32
    %neg3A_855 = vector.broadcast %neg3A_854 : f32 to vector<16xf32>
    %neg3A_856 = arith.subf %neg3A_855, %add3A_853 : vector<16xf32>
    %eq3A_857 = arith.constant -100 : i32
    %eq3A_858 = vector.broadcast %eq3A_857 : i32 to vector<16xi32>
    %eq3A_859 = arith.cmpi eq, %get3A_752, %eq3A_858 : vector<16xi32>
    %jit3A_860 = arith.constant 0.000000e+00 : f32
    %broadcast_in_dim3A_861 = vector.broadcast %jit3A_860 : f32 to vector<16xf32>
    %select_n3A_862 = arith.select %eq3A_859, %broadcast_in_dim3A_861, %neg3A_856 : vector<16xi1>, vector<16xf32>
    %swap3A_863 = arith.constant 96 : index
    %swap3A_864 = tpu.vector_load %arg13[%swap3A_863] {strides = array<i32>} : memref<128xf32, #tpu.memory_space<vmem>>, vector<16xf32>,
    tpu.vector_store %arg13[%swap3A_863], %select_n3A_862 {strides = array<i32>} : memref<128xf32, #tpu.memory_space<vmem>>, vector<16xf32>,
    %iota3A_865 = tpu.iota {dimensions = array<i32: 0>} : vector<16xi32>
    %add3A_866 = arith.constant 112 : i32
    %add3A_867 = vector.broadcast %add3A_866 : i32 to vector<16xi32>
    %add3A_868 = arith.addi %add3A_867, %iota3A_865 : vector<16xi32>
    %get3A_869 = arith.constant 112 : index
    %get3A_870 = tpu.vector_load %arg7[%get3A_869] {strides = array<i32>} : memref<128xi32, #tpu.memory_space<vmem>>, vector<16xi32>,
    %get3A_871 = arith.constant 112 : index
    %get3A_872 = tpu.vector_load %arg8[%get3A_871] {strides = array<i32>} : memref<128xi32, #tpu.memory_space<vmem>>, vector<16xi32>,
    %get3A_873 = arith.constant 112 : index
    %get3A_874 = tpu.vector_load %arg9[%get3A_873] {strides = array<i32>} : memref<128xi32, #tpu.memory_space<vmem>>, vector<16xi32>,
    %gather3A_875 = tpu.vector_load_idx %arg12[%add3A_868, %add3A_868] : memref<128x128xf32, #tpu.memory_space<vmem>>[vector<16xi32>, vector<16xi32>], vector<16xf32>,
    %gather3A_876 = tpu.vector_load_idx %arg11[%get3A_872, %add3A_868] : memref<320x128xf32, #tpu.memory_space<vmem>>[vector<16xi32>, vector<16xi32>], vector<16xf32>,
    %add3A_877 = arith.constant 64 : i32
    %add3A_878 = vector.broadcast %add3A_877 : i32 to vector<16xi32>
    %add3A_879 = arith.addi %add3A_878, %get3A_874 : vector<16xi32>
    %gather3A_880 = tpu.vector_load_idx %arg11[%add3A_879, %add3A_868] : memref<320x128xf32, #tpu.memory_space<vmem>>[vector<16xi32>, vector<16xi32>], vector<16xf32>,
    %eq3A_881 = arith.constant 0 : i32
    %eq3A_882 = vector.broadcast %eq3A_881 : i32 to vector<16xi32>
    %eq3A_883 = arith.cmpi eq, %get3A_872, %eq3A_882 : vector<16xi32>
    %jit3A_884 = arith.constant 0.000000e+00 : f32
    %broadcast_in_dim3A_885 = vector.broadcast %jit3A_884 : f32 to vector<16xf32>
    %select_n3A_886 = arith.select %eq3A_883, %broadcast_in_dim3A_885, %gather3A_876 : vector<16xi1>, vector<16xf32>
    %add3A_887 = arith.constant 9.99999968E-21 : f32
    %add3A_888 = vector.broadcast %add3A_887 : f32 to vector<16xf32>
    %add3A_889 = arith.addf %select_n3A_886, %add3A_888 : vector<16xf32>
    %eq3A_890 = arith.constant 0 : i32
    %eq3A_891 = vector.broadcast %eq3A_890 : i32 to vector<16xi32>
    %eq3A_892 = arith.cmpi eq, %get3A_874, %eq3A_891 : vector<16xi32>
    %jit3A_893 = arith.constant 0.000000e+00 : f32
    %broadcast_in_dim3A_894 = vector.broadcast %jit3A_893 : f32 to vector<16xf32>
    %select_n3A_895 = arith.select %eq3A_892, %broadcast_in_dim3A_894, %gather3A_880 : vector<16xi1>, vector<16xf32>
    %add3A_896 = arith.constant 9.99999968E-21 : f32
    %add3A_897 = vector.broadcast %add3A_896 : f32 to vector<16xf32>
    %add3A_898 = arith.addf %select_n3A_895, %add3A_897 : vector<16xf32>
    %eq3A_899 = arith.constant 0 : i32
    %eq3A_900 = vector.broadcast %eq3A_899 : i32 to vector<16xi32>
    %eq3A_901 = arith.cmpi eq, %get3A_872, %eq3A_900 : vector<16xi32>
    %eq3A_902 = arith.constant 0 : i32
    %eq3A_903 = vector.broadcast %eq3A_902 : i32 to vector<16xi32>
    %eq3A_904 = arith.cmpi eq, %get3A_874, %eq3A_903 : vector<16xi32>
    %and3A_905 = arith.andi %eq3A_901, %eq3A_904 : vector<16xi1>
    %ne3A_906 = arith.constant 0 : i32
    %ne3A_907 = vector.broadcast %ne3A_906 : i32 to vector<16xi32>
    %ne3A_908 = arith.cmpi ne, %get3A_870, %ne3A_907 : vector<16xi32>
    %or3A_909 = arith.ori %and3A_905, %ne3A_908 : vector<16xi1>
    %add3A_910 = arith.addf %add3A_889, %add3A_898 : vector<16xf32>
    %jit3A_911 = arith.constant 0.000000e+00 : f32
    %broadcast_in_dim3A_912 = vector.broadcast %jit3A_911 : f32 to vector<16xf32>
    %select_n3A_913 = arith.select %or3A_909, %gather3A_875, %broadcast_in_dim3A_912 : vector<16xi1>, vector<16xf32>
    %add3A_914 = arith.addf %add3A_910, %select_n3A_913 : vector<16xf32>
    %bitcast_convert_type3A_915 = tpu.bitcast %add3A_914 : vector<16xf32> -> vector<16xi32>
    %shift_right_arithmetic3A_916 = arith.constant 23 : i32
    %shift_right_arithmetic3A_917 = vector.broadcast %shift_right_arithmetic3A_916 : i32 to vector<16xi32>
    %shift_right_arithmetic3A_918 = arith.shrsi %bitcast_convert_type3A_915, %shift_right_arithmetic3A_917 : vector<16xi32>
    %sub3A_919 = arith.constant 127 : i32
    %sub3A_920 = vector.broadcast %sub3A_919 : i32 to vector<16xi32>
    %sub3A_921 = arith.subi %shift_right_arithmetic3A_918, %sub3A_920 : vector<16xi32>
    %and3A_922 = arith.constant 8388607 : i32
    %and3A_923 = vector.broadcast %and3A_922 : i32 to vector<16xi32>
    %and3A_924 = arith.andi %bitcast_convert_type3A_915, %and3A_923 : vector<16xi32>
    %or3A_925 = arith.constant 1065353216 : i32
    %or3A_926 = vector.broadcast %or3A_925 : i32 to vector<16xi32>
    %or3A_927 = arith.ori %and3A_924, %or3A_926 : vector<16xi32>
    %bitcast_convert_type3A_928 = tpu.bitcast %or3A_927 : vector<16xi32> -> vector<16xf32>
    %gt3A_929 = arith.constant 1.41421354 : f32
    %gt3A_930 = vector.broadcast %gt3A_929 : f32 to vector<16xf32>
    %gt3A_931 = arith.cmpf ogt, %bitcast_convert_type3A_928, %gt3A_930 : vector<16xf32>
    %mul3A_932 = arith.constant 5.000000e-01 : f32
    %mul3A_933 = vector.broadcast %mul3A_932 : f32 to vector<16xf32>
    %mul3A_934 = arith.mulf %bitcast_convert_type3A_928, %mul3A_933 : vector<16xf32>
    %select_n3A_935 = arith.select %gt3A_931, %mul3A_934, %bitcast_convert_type3A_928 : vector<16xi1>, vector<16xf32>
    %add3A_936 = arith.constant 1 : i32
    %add3A_937 = vector.broadcast %add3A_936 : i32 to vector<16xi32>
    %add3A_938 = arith.addi %sub3A_921, %add3A_937 : vector<16xi32>
    %select_n3A_939 = arith.select %gt3A_931, %add3A_938, %sub3A_921 : vector<16xi1>, vector<16xi32>
    %convert_element_type3A_940 = arith.sitofp %select_n3A_939 : vector<16xi32> to vector<16xf32>
    %sub3A_941 = arith.constant 1.000000e+00 : f32
    %sub3A_942 = vector.broadcast %sub3A_941 : f32 to vector<16xf32>
    %sub3A_943 = arith.subf %select_n3A_935, %sub3A_942 : vector<16xf32>
    %add3A_944 = arith.constant 1.000000e+00 : f32
    %add3A_945 = vector.broadcast %add3A_944 : f32 to vector<16xf32>
    %add3A_946 = arith.addf %select_n3A_935, %add3A_945 : vector<16xf32>
    %div3A_947 = arith.divf %sub3A_943, %add3A_946 : vector<16xf32>
    %mul3A_948 = arith.mulf %div3A_947, %div3A_947 : vector<16xf32>
    %mul3A_949 = arith.constant 0.222222224 : f32
    %mul3A_950 = vector.broadcast %mul3A_949 : f32 to vector<16xf32>
    %mul3A_951 = arith.mulf %mul3A_948, %mul3A_950 : vector<16xf32>
    %add3A_952 = arith.constant 0.285714298 : f32
    %add3A_953 = vector.broadcast %add3A_952 : f32 to vector<16xf32>
    %add3A_954 = arith.addf %add3A_953, %mul3A_951 : vector<16xf32>
    %mul3A_955 = arith.mulf %mul3A_948, %add3A_954 : vector<16xf32>
    %add3A_956 = arith.constant 4.000000e-01 : f32
    %add3A_957 = vector.broadcast %add3A_956 : f32 to vector<16xf32>
    %add3A_958 = arith.addf %add3A_957, %mul3A_955 : vector<16xf32>
    %mul3A_959 = arith.mulf %mul3A_948, %add3A_958 : vector<16xf32>
    %add3A_960 = arith.constant 0.666666686 : f32
    %add3A_961 = vector.broadcast %add3A_960 : f32 to vector<16xf32>
    %add3A_962 = arith.addf %add3A_961, %mul3A_959 : vector<16xf32>
    %mul3A_963 = arith.mulf %mul3A_948, %add3A_962 : vector<16xf32>
    %add3A_964 = arith.constant 2.000000e+00 : f32
    %add3A_965 = vector.broadcast %add3A_964 : f32 to vector<16xf32>
    %add3A_966 = arith.addf %add3A_965, %mul3A_963 : vector<16xf32>
    %mul3A_967 = arith.constant 0.693147182 : f32
    %mul3A_968 = vector.broadcast %mul3A_967 : f32 to vector<16xf32>
    %mul3A_969 = arith.mulf %convert_element_type3A_940, %mul3A_968 : vector<16xf32>
    %mul3A_970 = arith.mulf %div3A_947, %add3A_966 : vector<16xf32>
    %add3A_971 = arith.addf %mul3A_969, %mul3A_970 : vector<16xf32>
    %neg3A_972 = arith.constant 0.000000e+00 : f32
    %neg3A_973 = vector.broadcast %neg3A_972 : f32 to vector<16xf32>
    %neg3A_974 = arith.subf %neg3A_973, %add3A_971 : vector<16xf32>
    %eq3A_975 = arith.constant -100 : i32
    %eq3A_976 = vector.broadcast %eq3A_975 : i32 to vector<16xi32>
    %eq3A_977 = arith.cmpi eq, %get3A_870, %eq3A_976 : vector<16xi32>
    %jit3A_978 = arith.constant 0.000000e+00 : f32
    %broadcast_in_dim3A_979 = vector.broadcast %jit3A_978 : f32 to vector<16xf32>
    %select_n3A_980 = arith.select %eq3A_977, %broadcast_in_dim3A_979, %neg3A_974 : vector<16xi1>, vector<16xf32>
    %swap3A_981 = arith.constant 112 : index
    %swap3A_982 = tpu.vector_load %arg13[%swap3A_981] {strides = array<i32>} : memref<128xf32, #tpu.memory_space<vmem>>, vector<16xf32>,
    tpu.vector_store %arg13[%swap3A_981], %select_n3A_980 {strides = array<i32>} : memref<128xf32, #tpu.memory_space<vmem>>, vector<16xf32>,
    "tpu.region"() ({
      %run_scoped3A = tpu.sem_alloc : memref<!tpu.dma_semaphore, #tpu.memory_space<semaphore_mem>>
      %dma_start3A_983 = tpu.memref_slice %arg6[%mul3A_2] : memref<4096xf32, #tpu.memory_space<hbm>> -> memref<128xf32, #tpu.memory_space<hbm>>
      %dma_start3A_984 = tpu.memref_slice %arg6[%mul3A_2] : memref<4096xf32, #tpu.memory_space<hbm>> -> memref<128xf32, #tpu.memory_space<hbm>>
      tpu.enqueue_dma source(%arg13 : memref<128xf32, #tpu.memory_space<vmem>>) target(%dma_start3A_984 : memref<128xf32, #tpu.memory_space<hbm>>) target_semaphore(%run_scoped3A : memref<!tpu.dma_semaphore, #tpu.memory_space<semaphore_mem>>)
      %dma_wait3A_985 = tpu.memref_slice %arg6[%mul3A_2] : memref<4096xf32, #tpu.memory_space<hbm>> -> memref<128xf32, #tpu.memory_space<hbm>>
      %dma_wait3A_986 = tpu.memref_slice %arg6[%mul3A_2] : memref<4096xf32, #tpu.memory_space<hbm>> -> memref<128xf32, #tpu.memory_space<hbm>>
      tpu.wait_dma2 semaphore(%run_scoped3A : memref<!tpu.dma_semaphore, #tpu.memory_space<semaphore_mem>>) src(%arg13 : memref<128xf32, #tpu.memory_space<vmem>>) dst(%dma_wait3A_986 : memref<128xf32, #tpu.memory_space<hbm>>)
      tpu.yield
    }) : () -> ()
    return
  }
}

</mosaic_0001>

<sc_bundles>
// kernel: _run.3.cloned.1.call-start
scs
__scs_entry_jumppad:
0x0: {  	(pc) =	sbr.rel $0x88, $3  }
0x1: {  	(tag) =	ssettag $0x0;
	lr =	simm.s32 $0x1  }
0x2: {  	[smem:$0x3F9D] =	sst lr;
	_ =	strace $0xD0000000  }
0x3: {  	_ = 	snop  }
0x4: {  	_ = 	snop  }
0x5: {  	_ = 	snop  }
0x6: {  	_ = 	snop  }
0x7: {  	_ = 	snop  }
__scs_overlays_trampoline_lowered:
0x8: {  	[smem:$0x3FAC] =	sst s0  }
0x9: {  	[smem:$0x3FAD] =	sst s1  }
0xa: {  	[smem:$0x3FAE] =	sst s2  }
0xb: {  	[smem:$0x3FAF] =	sst s3  }
0xc: {  	[smem:$0x3FB0] =	sst s4  }
0xd: {  	[smem:$0x3FB1] =	sst s5  }
0xe: {  	[smem:$0x3FB2] =	sst s6  }
0xf: {  	[smem:$0x3FB3] =	sst s7  }
0x10: {  	[smem:$0x3FB4] =	sst s8  }
0x11: {  	[smem:$0x3FB5] =	sst s9;
	s0 =	simm.s32 @!p0 $0x0  }
0x12: {  	s1 =	sld [smem:$0x3F9B];
	s0 =	simm.s32 @p0 $0x1  }
0x13: {  	[smem:$0x3FB6] =	sst s0;
	s0 =	simm.s32 @!p1 $0x0  }
0x14: {  	s2 =	sld [smem:$0x3F9A];
	s0 =	simm.s32 @p1 $0x1  }
0x15: {  	[smem:$0x3FB7] =	sst s0;
	s0 =	simm.s32 @!p2 $0x0  }
0x16: {  	s3 =	sld [smem:$0x3FDB];
	s0 =	simm.s32 @p2 $0x1  }
0x17: {  	s4 =	simm.s32 $0x1BF5;
	[smem:$0x3FB9] =	sst s0  }
0x18: {  	s0 =	sld [smem:$0x3F9C];
	_ =	swait.ge [sflag:s4], $0x0  }
0x19: {  	s7 =	sld [smem:$0x3F9D]  }
0x1a: {  	s8 =	sadd.s32 $0xFFFFE003, lr  }
0x1b: {  	s9 =	sadd.s32 $0xFFFFFEF7, lr;
	s5 =	simm.s32 $0xFFFFFFFF;
	p2 =	slt.u32 s8, $0xFFFFF086  }
0x1c: {  	p1 =	slt.u32 s9, $0xF7A;
	s5 =	simm.s32 @!p2 $0x0  }
0x1d: {  	s5 =	simm.s32 @p1 $0x1;
	p0 =	seq.s32 s7, s2  }
0x1e: {  	s7 =	smul.u32 @!p0 $0xF7A, s2;
	p2 =	seq.s32 @!p0 s5, $0x0  }
0x1f: {  	s9 =	smul.u32 $0xF7A, s1;
	s8 =	simm.s32 @!p0 $0x1BF5;
	p2 =	por !p2, p0  }
0x20: {  	[sflag:s8] =	ssyncset.s32 @!p0 $0xFFFFF086;
	s6 =	sadd.s32 @!p0 s3, s7;
	s7 =	simm.s32 @!p0 $0x108  }
0x21: {  	s3 =	sadd.s32 s3, s9;
	s6 =	sadd.s32 @!p0 $0x88, s6;
	s7 =	simm.s32 @p2 $0x1082  }
0x22: {  	[simem:s7], [sflag:s8] =	dma.local @!p0 [hbm:s6], $0xF7A  }
0x23: {  	s9 =	sor.u32 $0xD0000000, s2;
	s6 =	simm.s32 $0x108;
	_ =	swait.ge @!p0 [sflag:s8], $0x0  }
0x24: {  	s3 =	sadd.s32 $0x88, s3;
	s6 =	simm.s32 @!p1 $0x1082;
	[sflag:s4] =	ssyncset.s32 $0xFFFFF086  }
0x25: {  	[simem:s6], [sflag:s4] =	dma.local [hbm:s3], $0xF7A  }
0x26: {  	[smem:$0x3F9D] =	sst s1;
	(tag) =	ssettag s2;
	_ =	strace s9  }
0x27: {  	s1 =	sld [smem:$0x3FAD]  }
0x28: {  	s2 =	sld [smem:$0x3FAE]  }
0x29: {  	s4 =	sld [smem:$0x3FB0]  }
0x2a: {  	p0 =	seq.s32 s5, $0x0;
	s5 =	sld [smem:$0x3FB1]  }
0x2b: {  	s6 =	sld [smem:$0x3FB2]  }
0x2c: {  	s7 =	sld [smem:$0x3FB3]  }
0x2d: {  	s3 =	simm.s32 $0x108;
	s8 =	sld [smem:$0x3FB4]  }
0x2e: {  	s3 =	simm.s32 @!p0 $0x1082;
	s9 =	sld [smem:$0x3FB5]  }
0x2f: {  	lr =	sadd.s32 s0, s3;
	s0 =	sld [smem:$0x3FAC]  }
0x30: {  	s3 =	sld [smem:$0x3FAF]  }
0x31: {  	[smem:$0x3FB8] =	sst s10  }
0x32: {  	s10 =	sld [smem:$0x3FB6];
	_ =	sdelay $0x3  }
0x33: {  	p0 =	seq.s32 s10, $0x1;
	s10 =	sld [smem:$0x3FB8];
	_ =	sdelay $0x3  }
0x34: {  	[smem:$0x3FB8] =	sst s10  }
0x35: {  	s10 =	sld [smem:$0x3FB7];
	_ =	sdelay $0x3  }
0x36: {  	p1 =	seq.s32 s10, $0x1;
	s10 =	sld [smem:$0x3FB8];
	_ =	sdelay $0x3  }
0x37: {  	[smem:$0x3FB8] =	sst s10  }
0x38: {  	s10 =	sld [smem:$0x3FB9]  }
0x39: {  	_ = 	snop;
	(pc) =	sbr.ind lr, $3  }
0x3a: {  	_ = 	snop  }
0x3b: {  	_ = 	snop  }
0x3c: {  	p2 =	seq.s32 s10, $0x1;
	s10 =	sld [smem:$0x3FB8]  }
0x3d: {  	_ =	shalt  }
0x3e: {  	_ =	shalt  }
0x3f: {  	_ =	shalt  }
0x40: {  	_ =	shalt  }
0x41: {  	_ =	shalt  }
0x42: {  	_ =	shalt  }
0x43: {  	_ =	shalt  }
0x44: {  	_ =	shalt  }
0x45: {  	_ =	shalt  }
0x46: {  	_ =	shalt  }
0x47: {  	_ =	shalt  }
0x48: {  	_ =	shalt  }
0x49: {  	_ =	shalt  }
0x4a: {  	_ =	shalt  }
0x4b: {  	_ =	shalt  }
0x4c: {  	_ =	shalt  }
0x4d: {  	_ =	shalt  }
0x4e: {  	_ =	shalt  }
0x4f: {  	_ =	shalt  }
0x50: {  	_ =	shalt  }
0x51: {  	_ =	shalt  }
0x52: {  	_ =	shalt  }
0x53: {  	_ =	shalt  }
0x54: {  	_ =	shalt  }
0x55: {  	_ =	shalt  }
0x56: {  	_ =	shalt  }
0x57: {  	_ =	shalt  }
0x58: {  	_ =	shalt  }
0x59: {  	_ =	shalt  }
0x5a: {  	_ =	shalt  }
0x5b: {  	_ =	shalt  }
0x5c: {  	_ =	shalt  }
0x5d: {  	_ =	shalt  }
0x5e: {  	_ =	shalt  }
0x5f: {  	_ =	shalt  }
0x60: {  	_ =	shalt  }
0x61: {  	_ =	shalt  }
0x62: {  	_ =	shalt  }
0x63: {  	_ =	shalt  }
0x64: {  	_ =	shalt  }
0x65: {  	_ =	shalt  }
0x66: {  	_ =	shalt  }
0x67: {  	_ =	shalt  }
0x68: {  	_ =	shalt  }
0x69: {  	_ =	shalt  }
0x6a: {  	_ =	shalt  }
0x6b: {  	_ =	shalt  }
0x6c: {  	_ =	shalt  }
0x6d: {  	_ =	shalt  }
0x6e: {  	_ =	shalt  }
0x6f: {  	_ =	shalt  }
0x70: {  	_ =	shalt  }
0x71: {  	_ =	shalt  }
0x72: {  	_ =	shalt  }
0x73: {  	_ =	shalt  }
0x74: {  	_ =	shalt  }
0x75: {  	_ =	shalt  }
0x76: {  	_ =	shalt  }
0x77: {  	_ =	shalt  }
0x78: {  	_ =	shalt  }
0x79: {  	_ =	shalt  }
0x7a: {  	_ =	shalt  }
0x7b: {  	_ =	shalt  }
0x7c: {  	_ =	shalt  }
0x7d: {  	_ =	shalt  }
0x7e: {  	_ =	shalt  }
0x7f: {  	_ =	shalt  }
0x80: {  	_ =	shalt  }
0x81: {  	_ =	shalt  }
0x82: {  	_ =	shalt  }
0x83: {  	_ =	shalt  }
0x84: {  	_ =	shalt  }
0x85: {  	_ =	shalt  }
0x86: {  	_ =	shalt  }
0x87: {  	_ =	shalt  }
.Lfunc_end0:
.L_simem_size_0:
called_computation_lowered:
.L_overlay_start_0:
0x88: {  	s2 =	sld [smem:$0x3FD9]  }
0x89: {  	s3 =	sld [smem:$0x3FFE];
	_ =	sdelay $0x1  }
0x8a: {  	s1 =	srdreg.scid  }
0x8b: {  	s0 =	sand.u32 $0x1, s1  }
0x8c: {  	s18 =	sshll.u32 s0, $0xA;
	s2 =	sadd.s32 s3, s2  }
0x8d: {  	s2 =	sadd.s32 s2, s18  }
0x8e: {  	[smem:$0x3FC4] =	sst s2  }
0x8f: {  	_ = 	snop  }
0x90: {  	s2 =	sld [smem:$0x3FC9]  }
0x91: {  	s19 =	sld [smem:$0x3FC8]  }
0x92: {  	s4 =	sld [smem:$0x3FC7]  }
0x93: {  	s5 =	sld [smem:$0x3FC6]  }
0x94: {  	s6 =	sld [smem:$0x3FD0];
	(tm) =	ssettm $0x1  }
0x95: {  	s7 =	sld [smem:$0x3FFB];
	_ =	sdelay $0x3  }
0x96: {  	_ =	strace s7  }
0x97: {  	s7 =	sld [smem:$0x3FFC];
	_ =	sdelay $0x3  }
0x98: {  	_ =	strace s7  }
0x99: {  	s7 =	sld [smem:$0x3FFD];
	_ =	sdelay $0x3  }
0x9a: {  	_ =	strace s7  }
0x9b: {  	_ =	strace $0x8FFFFFFF  }
0x9c: {  	s20 =	sld [smem:$0x3FDB];
	_ =	sdelay $0x1  }
0x9d: {  	s8 =	simm.s32 $_scs_section_size  }
0x9e: {  	s9 =	simm.s32 $_size__tile_overlayer_lowered;
	s10 =	simm.s32 $_tile_overlayer_lowered  }
0x9f: {  	s23 =	simm.s32 $0x1BFF;
	s22 =	sshll.u32 s10, $0x1;
	s7 =	sadd.s32 s8, s20  }
0xa0: {  	s11 =	simm.s32 $0x0;
	s21 =	sshll.u32 s9, $0x1;
	s9 =	sadd.s32 s22, s7  }
0xa1: {  	[timem:s11], [sflag:s23] =	dma.local [hbm:s9], s21  }
0xa2: {  	_ =	swait.ge [sflag:s23], s21  }
0xa3: {  	s8 =	ssub.s32 $0x0, s21;
	[sflag:s23] =	ssyncset.done $0x0  }
0xa4: {  	[sflag:s23] =	ssyncadd.s32 s8;
	_ =	sdelay $0x1  }
0xa5: {  	s24 =	simm.s32 $0x1B8B  }
0xa6: {  	_ =	swait.ge [sflag:s24], $0x1  }
0xa7: {  	[sflag:s24] =	ssyncset.done $0x0  }
0xa8: {  	s25 =	simm.s32 $0x1B8E;
	[sflag:s24] =	ssyncadd.s32 $0xFFFFFFFF  }
0xa9: {  	s26 =	simm.s32 $execute0_lowered;
	[smem:$0x3FD2] =	sst s25  }
0xaa: {  	s8 =	sshll.u32 s26, $0x1;
	_ =	strace $0x80000046;
	[dreg:$0x1] =	wrdreg $0xFFFFFFFF  }
0xab: {  	s28 =	simm.s32 $_size_execute0_lowered;
	s7 =	sadd.s32 s7, s8;
	[dreg:$0x0] =	wrdreg $0x0  }
0xac: {  	s8 =	sshll.u32 s28, $0x1;
	[dreg:$0x2] =	wrdreg s7  }
0xad: {  	[dreg:$0x3] =	wrdreg s8  }
0xae: {  	[dreg:$0x4] =	wrdreg $0xC0  }
0xaf: {  	_ =	task [dreg:s11], $0x5FFFF  }
0xb0: {  	[dreg:$0x1] =	wrdreg $0xFFFFFFFF  }
0xb1: {  	[dreg:$0x0] =	wrdreg $0x60  }
0xb2: {  	[dreg:$0x2] =	wrdreg s2  }
0xb3: {  	[dreg:$0x3] =	wrdreg s5  }
0xb4: {  	[dreg:$0x4] =	wrdreg s19  }
0xb5: {  	[dreg:$0x5] =	wrdreg s4  }
0xb6: {  	[dreg:$0x6] =	wrdreg s6  }
0xb7: {  	[dreg:$0x7] =	wrdreg $0x9  }
0xb8: {  	_ =	task.clear_ibuf [dreg:s11], $0x8FFFF;
	_ =	strace $0x90000046  }
0xb9: {  	s29 =	simm.s32 $0x9;
	_ =	strace $0x80000048  }
0xba: {  	_ =	swait.ge [sflag:s29], $0x1  }
0xbb: {  	[sflag:s29] =	ssyncadd.s32 $0xFFFFFFFF  }
0xbc: {  	_ =	strace $0x90000048  }
0xbd: {  	_ =	sfence  }
0xbe: {  	s30 =	sld [smem:$0x0];
	_ =	sdelay $0x2  }
0xbf: {  	s31 =	sshll.u32 s1, $0xD;
	s1 =	sshrl.u32 s1, $0x2  }
0xc0: {  	s3 =	sand.u32 $0x4000, s31;
	s1 =	sadd.s32 s1, s30  }
0xc1: {  	s0 =	sor.u32 s3, s0;
	s1 =	sshll.u32 s1, $0x11  }
0xc2: {  	s0 =	sor.u32 s1, s0  }
0xc3: {  	s0 =	sadd.s32 $0x8F2B, s0  }
0xc4: {  	[sflag:s0] =	ssyncadd.remote.s32 $0x1  }
0xc5: {  	_ =	sfence.sel $0xFFFF  }
0xc6: {  	[dreg:$0x0] =	wrdreg $0xFFFFFFFF;
	(pc) =	sbr.abs _section_cstart, $3  }
0xc7: {  	[dreg:$0x1] =	wrdreg $0xFFFFFFFF  }
0xc8: {  	_ =	task.clear_ibuf [dreg:s11], $0x2FFFF;
	_ =	strace $0x9FFFFFFF  }
0xc9: {  	(tm) =	ssettm $0x7FFFFFFF  }
tec
execute0_lowered:
.L_overlay_start_1:
0x0: {  	(tag) =	ssettag $0x1  }
0x1: {  	s3 =	rddreg [dreg:$0x0]  }
0x2: {  	s4 =	rddreg [dreg:$0x1]  }
0x3: {  	s5 =	rddreg [dreg:$0x2]  }
0x4: {  	s6 =	rddreg [dreg:$0x3]  }
0x5: {  	s7 =	rddreg [dreg:$0x4];
	s2 =	simm.s32 $0x0  }
0x6: {  	s10 =	simm.s32 $0x400;
	[smem:$0x7FF] =	sst s2  }
0x7: {  	s11 =	simm.s32 $0x8000;
	_ =	strace $0x80000047;
	[dreg:$0xd] =	wrdreg s10  }
0x8: {  	s12 =	simm.s32 $0xA280;
	[dreg:$0xe] =	wrdreg s11  }
0x9: {  	s13 =	simm.s32 $0xA300;
	[dreg:$0xf] =	wrdreg s12  }
0xa: {  	s14 =	simm.s32 $0xA380;
	[dreg:$0x10] =	wrdreg s13  }
0xb: {  	s15 =	simm.s32 $0xA400;
	[dreg:$0x11] =	wrdreg s14  }
0xc: {  	s16 =	simm.s32 $0xA480;
	[dreg:$0x12] =	wrdreg s15  }
0xd: {  	s17 =	simm.s32 $0xA500;
	[dreg:$0x13] =	wrdreg s16  }
0xe: {  	s18 =	simm.s32 $0xA580;
	[dreg:$0x14] =	wrdreg s17  }
0xf: {  	s19 =	simm.s32 $0xA600;
	[dreg:$0x15] =	wrdreg s18  }
0x10: {  	s20 =	simm.s32 $0xA680;
	[dreg:$0x16] =	wrdreg s19  }
0x11: {  	s21 =	simm.s32 $0xA700;
	[dreg:$0x17] =	wrdreg s20  }
0x12: {  	s22 =	simm.s32 $0xA780;
	[dreg:$0x18] =	wrdreg s21  }
0x13: {  	s23 =	simm.s32 $0xA800;
	[dreg:$0x19] =	wrdreg s22  }
0x14: {  	s24 =	simm.s32 $0xA880;
	[dreg:$0x1a] =	wrdreg s23  }
0x15: {  	[dreg:$0x1b] =	wrdreg s24;
	s10 =	simm.s32 $0xAD00  }
0x16: {  	s11 =	simm.s32 $0xAD80;
	[smem:$0x7A9] =	sst s10  }
0x17: {  	s12 =	simm.s32 $0xAE00;
	[smem:$0x7AA] =	sst s11  }
0x18: {  	s13 =	simm.s32 $0xAE80;
	[smem:$0x7AB] =	sst s12  }
0x19: {  	s14 =	simm.s32 $0xAF00;
	[smem:$0x7AC] =	sst s13  }
0x1a: {  	s15 =	simm.s32 $0xAF80;
	[smem:$0x7AD] =	sst s14  }
0x1b: {  	s16 =	simm.s32 $0xB000;
	[smem:$0x7AE] =	sst s15  }
0x1c: {  	s17 =	simm.s32 $0xB080;
	[smem:$0x7AF] =	sst s16  }
0x1d: {  	s18 =	simm.s32 $0xB100;
	[smem:$0x7B0] =	sst s17  }
0x1e: {  	s1 =	srdreg.scid;
	s19 =	simm.s32 $0xB180;
	[smem:$0x7B1] =	sst s18  }
0x1f: {  	s0 =	stileid.u32;
	s20 =	simm.s32 $0xB200;
	[smem:$0x7B2] =	sst s19  }
0x20: {  	s1 =	sand.u32 $0x1, s1;
	s21 =	simm.s32 $0xB280;
	[smem:$0x7B3] =	sst s20  }
0x21: {  	s8 =	sshll.u32 s0, $0x1;
	s22 =	simm.s32 $0xB300;
	[smem:$0x7B4] =	sst s21  }
0x22: {  	s8 =	sor.u32 s1, s8;
	s23 =	simm.s32 $0xB380;
	[smem:$0x7B5] =	sst s22  }
0x23: {  	s24 =	simm.s32 $0xB400;
	s9 =	sshll.u32 s8, $0x4;
	[smem:$0x7B6] =	sst s23  }
0x24: {  	s26 =	sshll.u32 s8, $0x7;
	s8 =	simm.s32 $0x80;
	[smem:$0x7B7] =	sst s24  }
0x25: {  	s10 =	simm.s32 $0xB880;
	[dreg:$0xb] =	wrdreg s8  }
0x26: {  	s11 =	simm.s32 $0xB900;
	[smem:$0x7C0] =	sst s10  }
0x27: {  	s12 =	simm.s32 $0xB980;
	[smem:$0x7C1] =	sst s11  }
0x28: {  	s13 =	simm.s32 $0xBA00;
	[smem:$0x7C2] =	sst s12  }
0x29: {  	s14 =	simm.s32 $0xBA80;
	[smem:$0x7C3] =	sst s13  }
0x2a: {  	s15 =	simm.s32 $0xBB00;
	[smem:$0x7C4] =	sst s14  }
0x2b: {  	s16 =	simm.s32 $0xBB80;
	[smem:$0x7C5] =	sst s15  }
0x2c: {  	s17 =	simm.s32 $0xBC00;
	[smem:$0x7C6] =	sst s16  }
0x2d: {  	s18 =	simm.s32 $0xBC80;
	[smem:$0x7C7] =	sst s17  }
0x2e: {  	s19 =	simm.s32 $0xBD00;
	[smem:$0x7C8] =	sst s18  }
0x2f: {  	s20 =	simm.s32 $0xBD80;
	[smem:$0x7C9] =	sst s19  }
0x30: {  	s21 =	simm.s32 $0xBE00;
	[smem:$0x7CA] =	sst s20  }
0x31: {  	s22 =	simm.s32 $0xBE80;
	[smem:$0x7CB] =	sst s21  }
0x32: {  	s23 =	simm.s32 $0xBF00;
	[smem:$0x7CC] =	sst s22  }
0x33: {  	s24 =	simm.s32 $0xBF80;
	[smem:$0x7CD] =	sst s23  }
0x34: {  	s4 =	sadd.s32 s4, s9;
	[smem:$0x7CE] =	sst s24  }
0x35: {  	s25 =	sadd.s32 s5, s9;
	[dreg:$0x6] =	wrdreg s4  }
0x36: {  	s0 =	sadd.s32 s6, s9;
	[dreg:$0x7] =	wrdreg s25  }
0x37: {  	s7 =	sadd.s32 s7, s9;
	[dreg:$0x8] =	wrdreg s0  }
0x38: {  	s9 =	simm.s32 $0x100;
	[dreg:$0xa] =	wrdreg s7  }
0x39: {  	s3 =	sadd.s32 s3, s26;
	s26 =	simm.s32 $0xA980;
	[dreg:$0xc] =	wrdreg s9  }
0x3a: {  	s5 =	simm.s32 $0xAA80;
	[dreg:$0x1d] =	wrdreg s26  }
0x3b: {  	s8 =	simm.s32 $0xAC00;
	[dreg:$0x1f] =	wrdreg s5  }
0x3c: {  	s10 =	simm.s32 $0xC400;
	[smem:$0x7A7] =	sst s8  }
0x3d: {  	s11 =	simm.s32 $0xC480;
	[smem:$0x7D7] =	sst s10  }
0x3e: {  	s12 =	simm.s32 $0xC500;
	[smem:$0x7D8] =	sst s11  }
0x3f: {  	s13 =	simm.s32 $0xC580;
	[smem:$0x7D9] =	sst s12  }
0x40: {  	s14 =	simm.s32 $0xC600;
	[smem:$0x7DA] =	sst s13  }
0x41: {  	s15 =	simm.s32 $0xC680;
	[smem:$0x7DB] =	sst s14  }
0x42: {  	s16 =	simm.s32 $0xC700;
	[smem:$0x7DC] =	sst s15  }
0x43: {  	s17 =	simm.s32 $0xC780;
	[smem:$0x7DD] =	sst s16  }
0x44: {  	s18 =	simm.s32 $0xC800;
	[smem:$0x7DE] =	sst s17  }
0x45: {  	s19 =	simm.s32 $0xC880;
	[smem:$0x7DF] =	sst s18  }
0x46: {  	s20 =	simm.s32 $0xC900;
	[smem:$0x7E0] =	sst s19  }
0x47: {  	s21 =	simm.s32 $0xC980;
	[smem:$0x7E1] =	sst s20  }
0x48: {  	s22 =	simm.s32 $0xCA00;
	[smem:$0x7E2] =	sst s21  }
0x49: {  	s23 =	simm.s32 $0xCA80;
	[smem:$0x7E3] =	sst s22  }
0x4a: {  	s24 =	simm.s32 $0xCB00;
	[smem:$0x7E4] =	sst s23  }
0x4b: {  	s6 =	sadd.s32 $0xFA0000, s3;
	[smem:$0x7E5] =	sst s24  }
0x4c: {  	s25 =	simm.s32 $0xA900;
	[dreg:$0x9] =	wrdreg s6  }
0x4d: {  	s0 =	simm.s32 $0xAA00;
	[dreg:$0x1c] =	wrdreg s25  }
0x4e: {  	s7 =	simm.s32 $0xAB80;
	[dreg:$0x1e] =	wrdreg s0  }
0x4f: {  	s9 =	simm.s32 $0xAC80;
	[smem:$0x7A6] =	sst s7  }
0x50: {  	s26 =	simm.s32 $0xB500;
	[smem:$0x7A8] =	sst s9  }
0x51: {  	s5 =	simm.s32 $0xB600;
	[smem:$0x7B9] =	sst s26  }
0x52: {  	s8 =	simm.s32 $0xB780;
	[smem:$0x7BB] =	sst s5  }
0x53: {  	s10 =	simm.s32 $0xCF80;
	[smem:$0x7BE] =	sst s8  }
0x54: {  	s11 =	simm.s32 $0xD000;
	[smem:$0x7EE] =	sst s10  }
0x55: {  	s12 =	simm.s32 $0xD080;
	[smem:$0x7EF] =	sst s11  }
0x56: {  	s13 =	simm.s32 $0xD100;
	[smem:$0x7F0] =	sst s12  }
0x57: {  	s14 =	simm.s32 $0xD180;
	[smem:$0x7F1] =	sst s13  }
0x58: {  	s15 =	simm.s32 $0xD200;
	[smem:$0x7F2] =	sst s14  }
0x59: {  	s16 =	simm.s32 $0xD280;
	[smem:$0x7F3] =	sst s15  }
0x5a: {  	s17 =	simm.s32 $0xD300;
	[smem:$0x7F4] =	sst s16  }
0x5b: {  	s18 =	simm.s32 $0xD380;
	[smem:$0x7F5] =	sst s17  }
0x5c: {  	s19 =	simm.s32 $0xD400;
	[smem:$0x7F6] =	sst s18  }
0x5d: {  	s20 =	simm.s32 $0xD480;
	[smem:$0x7F7] =	sst s19  }
0x5e: {  	s21 =	simm.s32 $0xD500;
	[smem:$0x7F8] =	sst s20  }
0x5f: {  	s23 =	simm.s32 $0xD580;
	[smem:$0x7F9] =	sst s21  }
0x60: {  	s28 =	simm.s32 $0xE100;
	s24 =	simm.s32 $0xD600;
	[smem:$0x7FA] =	sst s23  }
0x61: {  	s29 =	simm.s32 $0xE180;
	s6 =	simm.s32 $0xAB00;
	[smem:$0x7FB] =	sst s24  }
0x62: {  	s30 =	simm.s32 $0x1;
	s25 =	simm.s32 $0xB480;
	[smem:$0x7A5] =	sst s6  }
0x63: {  	s31 =	simm.s32 $0xE200;
	s0 =	simm.s32 $0xB580;
	[smem:$0x7B8] =	sst s25  }
0x64: {  	s1 =	ssub.s32 $0x2, s1;
	s7 =	simm.s32 $0xB700;
	[smem:$0x7BA] =	sst s0  }
0x65: {  	s22 =	sshrl.u32 s1, $0x1;
	s9 =	simm.s32 $0xB800;
	[smem:$0x7BD] =	sst s7  }
0x66: {  	s26 =	simm.s32 $0xC080;
	s5 =	simm.s32 $0xC180;
	[smem:$0x7BF] =	sst s9  }
0x67: {  	s8 =	simm.s32 $0xC300;
	s1 =	ssub.s32 s1, s22;
	[smem:$0x7D0] =	sst s26  }
0x68: {  	s12 =	simm.s32 $0xD980;
	s13 =	simm.s32 $0xDA00;
	[smem:$0x7D2] =	sst s5  }
0x69: {  	s14 =	simm.s32 $0xDA80;
	s6 =	simm.s32 $0xB680;
	[smem:$0x7D5] =	sst s8  }
0x6a: {  	s15 =	simm.s32 $0xDB00;
	s25 =	simm.s32 $0xC000;
	[smem:$0x7BC] =	sst s6  }
0x6b: {  	v0 =	vimm.s32 $0x7;
	s16 =	simm.s32 $0xDB80;
	s0 =	simm.s32 $0xC100;
	[smem:$0x7CF] =	sst s25  }
0x6c: {  	v1 =	vimm.s32 $0x5;
	v2 =	vimm.s32 $0x0;
	v3 =	vlaneseq.u32;
	s17 =	simm.s32 $0xDC00;
	s7 =	simm.s32 $0xC280;
	[smem:$0x7D1] =	sst s0  }
0x6d: {  	vm0 =	vmmov $0x1;
	v5 =	vimm.s32 $0x1;
	v6 =	vimm.s32 $0x2;
	s18 =	simm.s32 $0xDC80;
	s9 =	simm.s32 $0xC380;
	[smem:$0x7D4] =	sst s7  }
0x6e: {  	v7 =	vimm.s32 $0x3;
	v8 =	vimm.s32 $0x4;
	v9 =	vimm.s32 $0x6;
	s19 =	simm.s32 $0xDD00;
	s26 =	simm.s32 $0xCC00;
	[smem:$0x7D6] =	sst s9  }
0x6f: {  	v10 =	vimm.s32 $0x8;
	v11 =	vimm.s32 $0x9;
	v12 =	vimm.s32 $0xA;
	s20 =	simm.s32 $0xDD80;
	s5 =	simm.s32 $0xCD00;
	[smem:$0x7E7] =	sst s26  }
0x70: {  	v13 =	vimm.s32 $0xB;
	v14 =	vimm.s32 $0xC;
	v15 =	vimm.s32 $0xD;
	s21 =	simm.s32 $0xDE00;
	s8 =	simm.s32 $0xCE80;
	[smem:$0x7E9] =	sst s5  }
0x71: {  	v16 =	vimm.s32 $0xE;
	v18 =	vimm.s32 $0xF;
	v20 =	vimm.s32 $0xFFFFFF81;
	s22 =	simm.s32 $0xDE80;
	s6 =	simm.s32 $0xC200;
	[smem:$0x7EC] =	sst s8  }
0x72: {  	v4 =	vmul.u32 $0x8, v3;
	v17 =	vmul.u32 $0x81, v3;
	v19 =	vor.u32 $0x2000, v3;
	s23 =	simm.s32 $0xDF00;
	s25 =	simm.s32 $0xCB80;
	[smem:$0x7D3] =	sst s6  }
0x73: {  	v22 =	vor.u32 $0x10, v3;
	v23 =	vor.u32 $0x2010, v3;
	v25 =	vor.u32 $0x20, v3;
	s24 =	simm.s32 $0xDF80;
	s0 =	simm.s32 $0xCC80;
	[smem:$0x7E6] =	sst s25  }
0x74: {  	v26 =	vor.u32 $0x2020, v3;
	v28 =	vor.u32 $0x30, v3;
	v29 =	vor.u32 $0x2030, v3;
	s4 =	smax.u32 s1, $0x1;
	s7 =	simm.s32 $0xCE00;
	[smem:$0x7E8] =	sst s0  }
0x75: {  	v31 =	vor.u32 $0x40, v3;
	v32 =	vor.u32 $0x2040, v3;
	v34 =	vor.u32 $0x50, v3;
	s1 =	simm.s32 $0x3;
	s9 =	simm.s32 $0xCF00;
	[smem:$0x7EB] =	sst s7  }
0x76: {  	v35 =	vor.u32 $0x2050, v3;
	v37 =	vor.u32 $0x60, v3;
	v38 =	vor.u32 $0x2060, v3;
	s5 =	simm.s32 $0x200;
	s26 =	simm.s32 $0xD700;
	[smem:$0x7ED] =	sst s9  }
0x77: {  	v40 =	vor.u32 $0x70, v3;
	v41 =	vor.u32 $0x2070, v3;
	v21 =	vadd.s32 $0x810, v17;
	s6 =	simm.s32 $0xCD80;
	s25 =	simm.s32 $0xD680;
	[smem:$0x7FD] =	sst s26  }
0x78: {  	v24 =	vadd.s32 $0x1020, v17;
	v27 =	vadd.s32 $0x1830, v17;
	v30 =	vadd.s32 $0x2040, v17;
	s7 =	simm.s32 $0xA200;
	s26 =	simm.s32 $0xE080;
	[smem:$0x7EA] =	sst s6  }
0x79: {  	v33 =	vadd.s32 $0x2850, v17;
	v36 =	vadd.s32 $0x3060, v17;
	v39 =	vadd.s32 $0x3870, v17;
	[smem:$0x7FC] =	sst s25;
	s6 =	simm.s32 $0x2;
	s25 =	simm.s32 $0xE000  }
.LBB2_1:
0x7a: {  	s0 =	rddreg [dreg:$0x6]  }
0x7b: {  	s8 =	rddreg [dreg:$0x7]  }
0x7c: {  	s9 =	rddreg [dreg:$0xb]  }
0x7d: {  	s10 =	rddreg [dreg:$0xd]  }
0x7e: {  	s11 =	rddreg [dreg:$0xe]  }
0x7f: {  	[tilespmem:s2], [sflag:$0x2] =	stream.linear.gather [hbm4b:s0+s2], $0x80, $0x38;
	[tilespmem:$0xE280] =	vst v63  }
0x80: {  	s0 =	rddreg [dreg:$0x8]  }
0x81: {  	[tilespmem:s9], [sflag:$0x1] =	stream.linear.gather [hbm4b:s8+s2], $0x80, $0x38;
	[tilespmem:$0xE280] =	vst v63  }
0x82: {  	s8 =	rddreg [dreg:$0xc]  }
0x83: {  	[tilespmem:s8], [sflag:$0x1] =	stream.linear.gather [hbm4b:s0+s2], $0x80, $0x38;
	[tilespmem:$0xE280] =	vst v63  }
0x84: {  	s9 =	rddreg [dreg:$0x9]  }
0x85: {  	[tilespmem:s5], [sflag:$0x1] =	stream.strided.gather [hbm4b:s9+s10], $0xA000, s11, s10, $0x38;
	[tilespmem:$0xE280] =	vst v63  }
0x86: {  	_ =	swait.ge [sflag:s6], $0x80  }
0x87: {  	[sflag:s6] =	ssyncset.done $0x0  }
0x88: {  	[sflag:s6] =	ssyncadd.s32 $0xFFFFFF80  }
0x89: {  	v42 =	vld [tilespmem:$0x0];
	_ =	sdelay $0x2  }
0x8a: {  	v43 =	vld [tilespmem:$0x10]  }
0x8b: {  	v44 =	vld [tilespmem:$0x20]  }
0x8c: {  	v45 =	vld [tilespmem:$0x30];
	v46 =	vshll.u32 v42, $0x5  }
0x8d: {  	v47 =	vld [tilespmem:$0x40];
	v48 =	vand.u32 $0x7, v42;
	v46 =	vand.u32 $0xFFFFFF00, v46  }
0x8e: {  	v59 =	vld [tilespmem:$0x50];
	[tilespmem:$0x180] =	vst v42;
	v46 =	vor.u32 v48, v46  }
0x8f: {  	v60 =	vld [tilespmem:$0x60];
	[tilespmem:$0x190] =	vst v43;
	v48 =	vperm.xlane v46, v2  }
0x90: {  	v61 =	vld [tilespmem:$0x70];
	[tilespmem:$0x1A0] =	vst v44  }
0x91: {  	[tilespmem:$0x1B0] =	vst v45;
	v63 =	vperm.xlane v46, v5;
	v62 =	vadd.s32 v4, v48  }
0x92: {  	[tilespmem:$0x1C0] =	vst v47  }
0x93: {  	[tilespmem:$0x1D0] =	vst v59;
	v49 =	vperm.xlane v46, v6;
	v48 =	vadd.s32 v4, v63  }
0x94: {  	[tilespmem:$0x1E0] =	vst v60  }
0x95: {  	[tilespmem:$0x1F0] =	vst v61;
	v51 =	vperm.xlane v46, v7;
	v50 =	vadd.s32 v4, v49  }
0x96: {  	[tilespmem:s7], [sflag:$0x1] =	stream.indirect_vreg.gather [hbm4b:s3+s2], $0x80, v62, vm0, $0xb8;
	[tilespmem:$0xE280] =	vst v63  }
0x97: {  	s9 =	rddreg [dreg:$0xf];
	v52 =	vperm.xlane v46, v8;
	v44 =	vadd.s32 v4, v51  }
0x98: {  	[tilespmem:s9], [sflag:$0x1] =	stream.indirect_vreg.gather [hbm4b:s3+s2], $0x80, v48, vm0, $0xb8;
	[tilespmem:$0xE280] =	vst v63  }
0x99: {  	s10 =	rddreg [dreg:$0x10];
	v54 =	vperm.xlane v46, v1;
	v53 =	vadd.s32 v4, v52  }
0x9a: {  	[tilespmem:s10], [sflag:$0x1] =	stream.indirect_vreg.gather [hbm4b:s3+s2], $0x80, v50, vm0, $0xb8;
	[tilespmem:$0xE280] =	vst v63  }
0x9b: {  	s11 =	rddreg [dreg:$0x11];
	v56 =	vperm.xlane v46, v9;
	v55 =	vadd.s32 v4, v54  }
0x9c: {  	[tilespmem:s11], [sflag:$0x1] =	stream.indirect_vreg.gather [hbm4b:s3+s2], $0x80, v44, vm0, $0xb8;
	[tilespmem:$0xE280] =	vst v63  }
0x9d: {  	v58 =	vperm.xlane v46, v0;
	v57 =	vadd.s32 v4, v56;
	s9 =	rddreg [dreg:$0x12]  }
0x9e: {  	[tilespmem:s9], [sflag:$0x1] =	stream.indirect_vreg.gather [hbm4b:s3+s2], $0x80, v53, vm0, $0xb8;
	[tilespmem:$0xE280] =	vst v63  }
0x9f: {  	v60 =	vperm.xlane v46, v10;
	v59 =	vadd.s32 v4, v58;
	s10 =	rddreg [dreg:$0x13]  }
0xa0: {  	[tilespmem:s10], [sflag:$0x1] =	stream.indirect_vreg.gather [hbm4b:s3+s2], $0x80, v55, vm0, $0xb8;
	[tilespmem:$0xE280] =	vst v63  }
0xa1: {  	v61 =	vadd.s32 v4, v60;
	v62 =	vperm.xlane v46, v11;
	s11 =	rddreg [dreg:$0x14]  }
0xa2: {  	[tilespmem:s11], [sflag:$0x1] =	stream.indirect_vreg.gather [hbm4b:s3+s2], $0x80, v57, vm0, $0xb8;
	[tilespmem:$0xE280] =	vst v63  }
0xa3: {  	v63 =	vadd.s32 v4, v62;
	v48 =	vperm.xlane v46, v12;
	s9 =	rddreg [dreg:$0x15]  }
0xa4: {  	[tilespmem:s9], [sflag:$0x1] =	stream.indirect_vreg.gather [hbm4b:s3+s2], $0x80, v59, vm0, $0xb8;
	[tilespmem:$0xE280] =	vst v63  }
0xa5: {  	v49 =	vadd.s32 v4, v48;
	v50 =	vperm.xlane v46, v13;
	s10 =	rddreg [dreg:$0x16]  }
0xa6: {  	[tilespmem:s10], [sflag:$0x1] =	stream.indirect_vreg.gather [hbm4b:s3+s2], $0x80, v61, vm0, $0xb8;
	[tilespmem:$0xE280] =	vst v63  }
0xa7: {  	v52 =	vperm.xlane v46, v14;
	v51 =	vadd.s32 v4, v50;
	s11 =	rddreg [dreg:$0x17]  }
0xa8: {  	[tilespmem:s11], [sflag:$0x1] =	stream.indirect_vreg.gather [hbm4b:s3+s2], $0x80, v63, vm0, $0xb8;
	[tilespmem:$0xE280] =	vst v63  }
0xa9: {  	v54 =	vperm.xlane v46, v15;
	v53 =	vadd.s32 v4, v52;
	s9 =	rddreg [dreg:$0x18]  }
0xaa: {  	[tilespmem:s9], [sflag:$0x1] =	stream.indirect_vreg.gather [hbm4b:s3+s2], $0x80, v49, vm0, $0xb8;
	[tilespmem:$0xE280] =	vst v63  }
0xab: {  	v56 =	vperm.xlane v46, v16;
	v55 =	vadd.s32 v4, v54;
	s10 =	rddreg [dreg:$0x19]  }
0xac: {  	[tilespmem:s10], [sflag:$0x1] =	stream.indirect_vreg.gather [hbm4b:s3+s2], $0x80, v51, vm0, $0xb8;
	[tilespmem:$0xE280] =	vst v63  }
0xad: {  	v58 =	vperm.xlane v46, v18;
	v57 =	vadd.s32 v4, v56;
	s11 =	rddreg [dreg:$0x1a]  }
0xae: {  	[tilespmem:s11], [sflag:$0x1] =	stream.indirect_vreg.gather [hbm4b:s3+s2], $0x80, v53, vm0, $0xb8;
	[tilespmem:$0xE280] =	vst v63  }
0xaf: {  	v59 =	vadd.s32 v4, v58;
	s9 =	rddreg [dreg:$0x1b]  }
0xb0: {  	[tilespmem:s9], [sflag:$0x1] =	stream.indirect_vreg.gather [hbm4b:s3+s2], $0x80, v55, vm0, $0xb8;
	[tilespmem:$0xE280] =	vst v63  }
0xb1: {  	s10 =	rddreg [dreg:$0x1c]  }
0xb2: {  	[tilespmem:s10], [sflag:$0x1] =	stream.indirect_vreg.gather [hbm4b:s3+s2], $0x80, v57, vm0, $0xb8;
	[tilespmem:$0xE280] =	vst v63  }
0xb3: {  	s11 =	rddreg [dreg:$0x1d]  }
0xb4: {  	[tilespmem:s11], [sflag:$0x1] =	stream.indirect_vreg.gather [hbm4b:s3+s2], $0x80, v59, vm0, $0xb8;
	[tilespmem:$0xE280] =	vst v63  }
0xb5: {  	v42 =	vld [tilespmem:$0x190];
	_ =	sdelay $0x4  }
0xb6: {  	v60 =	vshll.u32 v42, $0x5  }
0xb7: {  	v42 =	vand.u32 $0x7, v42;
	v43 =	vand.u32 $0xFFFFFF00, v60  }
0xb8: {  	v42 =	vor.u32 v42, v43  }
0xb9: {  	v43 =	vperm.xlane v42, v2;
	_ =	sdelay $0x1  }
0xba: {  	v61 =	vperm.xlane v42, v5;
	v43 =	vadd.s32 v4, v43;
	_ =	sdelay $0x1  }
0xbb: {  	v62 =	vperm.xlane v42, v6;
	v44 =	vadd.s32 v4, v61  }
0xbc: {  	s8 =	rddreg [dreg:$0x1e]  }
0xbd: {  	s9 =	rddreg [dreg:$0x1f];
	v63 =	vperm.xlane v42, v7;
	v45 =	vadd.s32 v4, v62  }
0xbe: {  	[tilespmem:s8], [sflag:$0x1] =	stream.indirect_vreg.gather [hbm4b:s3+s2], $0x80, v43, vm0, $0xb8;
	[tilespmem:$0xE280] =	vst v63  }
0xbf: {  	s10 =	sld [smem:$0x7A5];
	v49 =	vperm.xlane v42, v8;
	v48 =	vadd.s32 v4, v63  }
0xc0: {  	[tilespmem:s9], [sflag:$0x1] =	stream.indirect_vreg.gather [hbm4b:s3+s2], $0x80, v44, vm0, $0xb8;
	[tilespmem:$0xE280] =	vst v63  }
0xc1: {  	s11 =	sld [smem:$0x7A6];
	v51 =	vperm.xlane v42, v1;
	v50 =	vadd.s32 v4, v49  }
0xc2: {  	[tilespmem:s10], [sflag:$0x1] =	stream.indirect_vreg.gather [hbm4b:s3+s2], $0x80, v45, vm0, $0xb8;
	[tilespmem:$0xE280] =	vst v63  }
0xc3: {  	v53 =	vperm.xlane v42, v9;
	v52 =	vadd.s32 v4, v51;
	s9 =	sld [smem:$0x7A7]  }
0xc4: {  	[tilespmem:s11], [sflag:$0x1] =	stream.indirect_vreg.gather [hbm4b:s3+s2], $0x80, v48, vm0, $0xb8;
	[tilespmem:$0xE280] =	vst v63  }
0xc5: {  	v55 =	vperm.xlane v42, v0;
	v54 =	vadd.s32 v4, v53;
	s10 =	sld [smem:$0x7A8]  }
0xc6: {  	[tilespmem:s9], [sflag:$0x1] =	stream.indirect_vreg.gather [hbm4b:s3+s2], $0x80, v50, vm0, $0xb8;
	[tilespmem:$0xE280] =	vst v63  }
0xc7: {  	v57 =	vperm.xlane v42, v10;
	v56 =	vadd.s32 v4, v55;
	s11 =	sld [smem:$0x7A9]  }
0xc8: {  	[tilespmem:s10], [sflag:$0x1] =	stream.indirect_vreg.gather [hbm4b:s3+s2], $0x80, v52, vm0, $0xb8;
	[tilespmem:$0xE280] =	vst v63  }
0xc9: {  	v59 =	vperm.xlane v42, v11;
	v58 =	vadd.s32 v4, v57;
	s9 =	sld [smem:$0x7AA]  }
0xca: {  	[tilespmem:s11], [sflag:$0x1] =	stream.indirect_vreg.gather [hbm4b:s3+s2], $0x80, v54, vm0, $0xb8;
	[tilespmem:$0xE280] =	vst v63  }
0xcb: {  	v60 =	vadd.s32 v4, v59;
	v61 =	vperm.xlane v42, v12;
	s10 =	sld [smem:$0x7AB]  }
0xcc: {  	[tilespmem:s9], [sflag:$0x1] =	stream.indirect_vreg.gather [hbm4b:s3+s2], $0x80, v56, vm0, $0xb8;
	[tilespmem:$0xE280] =	vst v63  }
0xcd: {  	v63 =	vperm.xlane v42, v13;
	v62 =	vadd.s32 v4, v61;
	s11 =	sld [smem:$0x7AC]  }
0xce: {  	[tilespmem:s10], [sflag:$0x1] =	stream.indirect_vreg.gather [hbm4b:s3+s2], $0x80, v58, vm0, $0xb8;
	[tilespmem:$0xE280] =	vst v63  }
0xcf: {  	v49 =	vperm.xlane v42, v14;
	v48 =	vadd.s32 v4, v63;
	s9 =	sld [smem:$0x7AD]  }
0xd0: {  	[tilespmem:s11], [sflag:$0x1] =	stream.indirect_vreg.gather [hbm4b:s3+s2], $0x80, v60, vm0, $0xb8;
	[tilespmem:$0xE280] =	vst v63  }
0xd1: {  	v51 =	vperm.xlane v42, v15;
	v50 =	vadd.s32 v4, v49;
	s10 =	sld [smem:$0x7AE]  }
0xd2: {  	[tilespmem:s9], [sflag:$0x1] =	stream.indirect_vreg.gather [hbm4b:s3+s2], $0x80, v62, vm0, $0xb8;
	[tilespmem:$0xE280] =	vst v63  }
0xd3: {  	v53 =	vperm.xlane v42, v16;
	v52 =	vadd.s32 v4, v51;
	s11 =	sld [smem:$0x7AF]  }
0xd4: {  	[tilespmem:s10], [sflag:$0x1] =	stream.indirect_vreg.gather [hbm4b:s3+s2], $0x80, v48, vm0, $0xb8;
	[tilespmem:$0xE280] =	vst v63  }
0xd5: {  	v42 =	vperm.xlane v42, v18;
	v54 =	vadd.s32 v4, v53;
	s9 =	sld [smem:$0x7B0]  }
0xd6: {  	[tilespmem:s11], [sflag:$0x1] =	stream.indirect_vreg.gather [hbm4b:s3+s2], $0x80, v50, vm0, $0xb8;
	[tilespmem:$0xE280] =	vst v63  }
0xd7: {  	v42 =	vadd.s32 v4, v42;
	s10 =	sld [smem:$0x7B1]  }
0xd8: {  	[tilespmem:s9], [sflag:$0x1] =	stream.indirect_vreg.gather [hbm4b:s3+s2], $0x80, v52, vm0, $0xb8;
	[tilespmem:$0xE280] =	vst v63  }
0xd9: {  	s11 =	sld [smem:$0x7B2]  }
0xda: {  	[tilespmem:s10], [sflag:$0x1] =	stream.indirect_vreg.gather [hbm4b:s3+s2], $0x80, v54, vm0, $0xb8;
	[tilespmem:$0xE280] =	vst v63  }
0xdb: {  	_ = 	snop  }
0xdc: {  	[tilespmem:s11], [sflag:$0x1] =	stream.indirect_vreg.gather [hbm4b:s3+s2], $0x80, v42, vm0, $0xb8;
	[tilespmem:$0xE280] =	vst v63  }
0xdd: {  	v42 =	vld [tilespmem:$0x1A0];
	_ =	sdelay $0x4  }
0xde: {  	v55 =	vshll.u32 v42, $0x5  }
0xdf: {  	v42 =	vand.u32 $0x7, v42;
	v43 =	vand.u32 $0xFFFFFF00, v55  }
0xe0: {  	v42 =	vor.u32 v42, v43  }
0xe1: {  	v43 =	vperm.xlane v42, v2;
	_ =	sdelay $0x1  }
0xe2: {  	v56 =	vperm.xlane v42, v5;
	v43 =	vadd.s32 v4, v43;
	_ =	sdelay $0x1  }
0xe3: {  	s8 =	sld [smem:$0x7B3];
	v57 =	vperm.xlane v42, v6;
	v44 =	vadd.s32 v4, v56;
	_ =	sdelay $0x1  }
0xe4: {  	s9 =	sld [smem:$0x7B4];
	v58 =	vperm.xlane v42, v7;
	v45 =	vadd.s32 v4, v57  }
0xe5: {  	[tilespmem:s8], [sflag:$0x1] =	stream.indirect_vreg.gather [hbm4b:s3+s2], $0x80, v43, vm0, $0xb8;
	[tilespmem:$0xE280] =	vst v63  }
0xe6: {  	s10 =	sld [smem:$0x7B5];
	v60 =	vperm.xlane v42, v8;
	v59 =	vadd.s32 v4, v58  }
0xe7: {  	[tilespmem:s9], [sflag:$0x1] =	stream.indirect_vreg.gather [hbm4b:s3+s2], $0x80, v44, vm0, $0xb8;
	[tilespmem:$0xE280] =	vst v63  }
0xe8: {  	s11 =	sld [smem:$0x7B6];
	v62 =	vperm.xlane v42, v1;
	v61 =	vadd.s32 v4, v60  }
0xe9: {  	[tilespmem:s10], [sflag:$0x1] =	stream.indirect_vreg.gather [hbm4b:s3+s2], $0x80, v45, vm0, $0xb8;
	[tilespmem:$0xE280] =	vst v63  }
0xea: {  	v48 =	vperm.xlane v42, v9;
	v63 =	vadd.s32 v4, v62;
	s9 =	sld [smem:$0x7B7]  }
0xeb: {  	[tilespmem:s11], [sflag:$0x1] =	stream.indirect_vreg.gather [hbm4b:s3+s2], $0x80, v59, vm0, $0xb8;
	[tilespmem:$0xE280] =	vst v63  }
0xec: {  	v50 =	vperm.xlane v42, v0;
	v49 =	vadd.s32 v4, v48;
	s10 =	sld [smem:$0x7B8]  }
0xed: {  	[tilespmem:s9], [sflag:$0x1] =	stream.indirect_vreg.gather [hbm4b:s3+s2], $0x80, v61, vm0, $0xb8;
	[tilespmem:$0xE280] =	vst v63  }
0xee: {  	v52 =	vperm.xlane v42, v10;
	v51 =	vadd.s32 v4, v50;
	s11 =	sld [smem:$0x7B9]  }
0xef: {  	[tilespmem:s10], [sflag:$0x1] =	stream.indirect_vreg.gather [hbm4b:s3+s2], $0x80, v63, vm0, $0xb8;
	[tilespmem:$0xE280] =	vst v63  }
0xf0: {  	v54 =	vperm.xlane v42, v11;
	v53 =	vadd.s32 v4, v52;
	s9 =	sld [smem:$0x7BA]  }
0xf1: {  	[tilespmem:s11], [sflag:$0x1] =	stream.indirect_vreg.gather [hbm4b:s3+s2], $0x80, v49, vm0, $0xb8;
	[tilespmem:$0xE280] =	vst v63  }
0xf2: {  	v55 =	vadd.s32 v4, v54;
	v56 =	vperm.xlane v42, v12;
	s10 =	sld [smem:$0x7BB]  }
0xf3: {  	[tilespmem:s9], [sflag:$0x1] =	stream.indirect_vreg.gather [hbm4b:s3+s2], $0x80, v51, vm0, $0xb8;
	[tilespmem:$0xE280] =	vst v63  }
0xf4: {  	v58 =	vperm.xlane v42, v13;
	v57 =	vadd.s32 v4, v56;
	s11 =	sld [smem:$0x7BC]  }
0xf5: {  	[tilespmem:s10], [sflag:$0x1] =	stream.indirect_vreg.gather [hbm4b:s3+s2], $0x80, v53, vm0, $0xb8;
	[tilespmem:$0xE280] =	vst v63  }
0xf6: {  	v60 =	vperm.xlane v42, v14;
	v59 =	vadd.s32 v4, v58;
	s9 =	sld [smem:$0x7BD]  }
0xf7: {  	[tilespmem:s11], [sflag:$0x1] =	stream.indirect_vreg.gather [hbm4b:s3+s2], $0x80, v55, vm0, $0xb8;
	[tilespmem:$0xE280] =	vst v63  }
0xf8: {  	v62 =	vperm.xlane v42, v15;
	v61 =	vadd.s32 v4, v60;
	s10 =	sld [smem:$0x7BE]  }
0xf9: {  	[tilespmem:s9], [sflag:$0x1] =	stream.indirect_vreg.gather [hbm4b:s3+s2], $0x80, v57, vm0, $0xb8;
	[tilespmem:$0xE280] =	vst v63  }
0xfa: {  	v48 =	vperm.xlane v42, v16;
	v63 =	vadd.s32 v4, v62;
	s11 =	sld [smem:$0x7BF]  }
0xfb: {  	[tilespmem:s10], [sflag:$0x1] =	stream.indirect_vreg.gather [hbm4b:s3+s2], $0x80, v59, vm0, $0xb8;
	[tilespmem:$0xE280] =	vst v63  }
0xfc: {  	v42 =	vperm.xlane v42, v18;
	v49 =	vadd.s32 v4, v48;
	s9 =	sld [smem:$0x7C0]  }
0xfd: {  	[tilespmem:s11], [sflag:$0x1] =	stream.indirect_vreg.gather [hbm4b:s3+s2], $0x80, v61, vm0, $0xb8;
	[tilespmem:$0xE280] =	vst v63  }
0xfe: {  	v42 =	vadd.s32 v4, v42;
	s10 =	sld [smem:$0x7C1]  }
0xff: {  	[tilespmem:s9], [sflag:$0x1] =	stream.indirect_vreg.gather [hbm4b:s3+s2], $0x80, v63, vm0, $0xb8;
	[tilespmem:$0xE280] =	vst v63  }
0x100: {  	s11 =	sld [smem:$0x7C2]  }
0x101: {  	[tilespmem:s10], [sflag:$0x1] =	stream.indirect_vreg.gather [hbm4b:s3+s2], $0x80, v49, vm0, $0xb8;
	[tilespmem:$0xE280] =	vst v63  }
0x102: {  	_ = 	snop  }
0x103: {  	[tilespmem:s11], [sflag:$0x1] =	stream.indirect_vreg.gather [hbm4b:s3+s2], $0x80, v42, vm0, $0xb8;
	[tilespmem:$0xE280] =	vst v63  }
0x104: {  	v42 =	vld [tilespmem:$0x1B0];
	_ =	sdelay $0x4  }
0x105: {  	v50 =	vshll.u32 v42, $0x5  }
0x106: {  	v42 =	vand.u32 $0x7, v42;
	v43 =	vand.u32 $0xFFFFFF00, v50  }
0x107: {  	v42 =	vor.u32 v42, v43  }
0x108: {  	v43 =	vperm.xlane v42, v2;
	_ =	sdelay $0x1  }
0x109: {  	v51 =	vperm.xlane v42, v5;
	v43 =	vadd.s32 v4, v43;
	_ =	sdelay $0x1  }
0x10a: {  	s8 =	sld [smem:$0x7C3];
	v52 =	vperm.xlane v42, v6;
	v44 =	vadd.s32 v4, v51;
	_ =	sdelay $0x1  }
0x10b: {  	s9 =	sld [smem:$0x7C4];
	v53 =	vperm.xlane v42, v7;
	v45 =	vadd.s32 v4, v52  }
0x10c: {  	[tilespmem:s8], [sflag:$0x1] =	stream.indirect_vreg.gather [hbm4b:s3+s2], $0x80, v43, vm0, $0xb8;
	[tilespmem:$0xE280] =	vst v63  }
0x10d: {  	s10 =	sld [smem:$0x7C5];
	v55 =	vperm.xlane v42, v8;
	v54 =	vadd.s32 v4, v53  }
0x10e: {  	[tilespmem:s9], [sflag:$0x1] =	stream.indirect_vreg.gather [hbm4b:s3+s2], $0x80, v44, vm0, $0xb8;
	[tilespmem:$0xE280] =	vst v63  }
0x10f: {  	s11 =	sld [smem:$0x7C6];
	v57 =	vperm.xlane v42, v1;
	v56 =	vadd.s32 v4, v55  }
0x110: {  	[tilespmem:s10], [sflag:$0x1] =	stream.indirect_vreg.gather [hbm4b:s3+s2], $0x80, v45, vm0, $0xb8;
	[tilespmem:$0xE280] =	vst v63  }
0x111: {  	v59 =	vperm.xlane v42, v9;
	v58 =	vadd.s32 v4, v57;
	s9 =	sld [smem:$0x7C7]  }
0x112: {  	[tilespmem:s11], [sflag:$0x1] =	stream.indirect_vreg.gather [hbm4b:s3+s2], $0x80, v54, vm0, $0xb8;
	[tilespmem:$0xE280] =	vst v63  }
0x113: {  	v61 =	vperm.xlane v42, v0;
	v60 =	vadd.s32 v4, v59;
	s10 =	sld [smem:$0x7C8]  }
0x114: {  	[tilespmem:s9], [sflag:$0x1] =	stream.indirect_vreg.gather [hbm4b:s3+s2], $0x80, v56, vm0, $0xb8;
	[tilespmem:$0xE280] =	vst v63  }
0x115: {  	v63 =	vperm.xlane v42, v10;
	v62 =	vadd.s32 v4, v61;
	s11 =	sld [smem:$0x7C9]  }
0x116: {  	[tilespmem:s10], [sflag:$0x1] =	stream.indirect_vreg.gather [hbm4b:s3+s2], $0x80, v58, vm0, $0xb8;
	[tilespmem:$0xE280] =	vst v63  }
0x117: {  	v49 =	vperm.xlane v42, v11;
	v48 =	vadd.s32 v4, v63;
	s9 =	sld [smem:$0x7CA]  }
0x118: {  	[tilespmem:s11], [sflag:$0x1] =	stream.indirect_vreg.gather [hbm4b:s3+s2], $0x80, v60, vm0, $0xb8;
	[tilespmem:$0xE280] =	vst v63  }
0x119: {  	v50 =	vadd.s32 v4, v49;
	v51 =	vperm.xlane v42, v12;
	s10 =	sld [smem:$0x7CB]  }
0x11a: {  	[tilespmem:s9], [sflag:$0x1] =	stream.indirect_vreg.gather [hbm4b:s3+s2], $0x80, v62, vm0, $0xb8;
	[tilespmem:$0xE280] =	vst v63  }
0x11b: {  	v53 =	vperm.xlane v42, v13;
	v52 =	vadd.s32 v4, v51;
	s11 =	sld [smem:$0x7CC]  }
0x11c: {  	[tilespmem:s10], [sflag:$0x1] =	stream.indirect_vreg.gather [hbm4b:s3+s2], $0x80, v48, vm0, $0xb8;
	[tilespmem:$0xE280] =	vst v63  }
0x11d: {  	v55 =	vperm.xlane v42, v14;
	v54 =	vadd.s32 v4, v53;
	s9 =	sld [smem:$0x7CD]  }
0x11e: {  	[tilespmem:s11], [sflag:$0x1] =	stream.indirect_vreg.gather [hbm4b:s3+s2], $0x80, v50, vm0, $0xb8;
	[tilespmem:$0xE280] =	vst v63  }
0x11f: {  	v57 =	vperm.xlane v42, v15;
	v56 =	vadd.s32 v4, v55;
	s10 =	sld [smem:$0x7CE]  }
0x120: {  	[tilespmem:s9], [sflag:$0x1] =	stream.indirect_vreg.gather [hbm4b:s3+s2], $0x80, v52, vm0, $0xb8;
	[tilespmem:$0xE280] =	vst v63  }
0x121: {  	v59 =	vperm.xlane v42, v16;
	v58 =	vadd.s32 v4, v57;
	s11 =	sld [smem:$0x7CF]  }
0x122: {  	[tilespmem:s10], [sflag:$0x1] =	stream.indirect_vreg.gather [hbm4b:s3+s2], $0x80, v54, vm0, $0xb8;
	[tilespmem:$0xE280] =	vst v63  }
0x123: {  	v42 =	vperm.xlane v42, v18;
	v60 =	vadd.s32 v4, v59;
	s9 =	sld [smem:$0x7D0]  }
0x124: {  	[tilespmem:s11], [sflag:$0x1] =	stream.indirect_vreg.gather [hbm4b:s3+s2], $0x80, v56, vm0, $0xb8;
	[tilespmem:$0xE280] =	vst v63  }
0x125: {  	v42 =	vadd.s32 v4, v42;
	s10 =	sld [smem:$0x7D1]  }
0x126: {  	[tilespmem:s9], [sflag:$0x1] =	stream.indirect_vreg.gather [hbm4b:s3+s2], $0x80, v58, vm0, $0xb8;
	[tilespmem:$0xE280] =	vst v63  }
0x127: {  	s11 =	sld [smem:$0x7D2]  }
0x128: {  	[tilespmem:s10], [sflag:$0x1] =	stream.indirect_vreg.gather [hbm4b:s3+s2], $0x80, v60, vm0, $0xb8;
	[tilespmem:$0xE280] =	vst v63  }
0x129: {  	_ = 	snop  }
0x12a: {  	[tilespmem:s11], [sflag:$0x1] =	stream.indirect_vreg.gather [hbm4b:s3+s2], $0x80, v42, vm0, $0xb8;
	[tilespmem:$0xE280] =	vst v63  }
0x12b: {  	v42 =	vld [tilespmem:$0x1C0];
	_ =	sdelay $0x4  }
0x12c: {  	v61 =	vshll.u32 v42, $0x5  }
0x12d: {  	v42 =	vand.u32 $0x7, v42;
	v43 =	vand.u32 $0xFFFFFF00, v61  }
0x12e: {  	v42 =	vor.u32 v42, v43  }
0x12f: {  	v43 =	vperm.xlane v42, v2;
	_ =	sdelay $0x1  }
0x130: {  	v62 =	vperm.xlane v42, v5;
	v43 =	vadd.s32 v4, v43;
	_ =	sdelay $0x1  }
0x131: {  	s8 =	sld [smem:$0x7D3];
	v63 =	vperm.xlane v42, v6;
	v44 =	vadd.s32 v4, v62;
	_ =	sdelay $0x1  }
0x132: {  	s9 =	sld [smem:$0x7D4];
	v48 =	vperm.xlane v42, v7;
	v45 =	vadd.s32 v4, v63  }
0x133: {  	[tilespmem:s8], [sflag:$0x1] =	stream.indirect_vreg.gather [hbm4b:s3+s2], $0x80, v43, vm0, $0xb8;
	[tilespmem:$0xE280] =	vst v63  }
0x134: {  	s10 =	sld [smem:$0x7D5];
	v50 =	vperm.xlane v42, v8;
	v49 =	vadd.s32 v4, v48  }
0x135: {  	[tilespmem:s9], [sflag:$0x1] =	stream.indirect_vreg.gather [hbm4b:s3+s2], $0x80, v44, vm0, $0xb8;
	[tilespmem:$0xE280] =	vst v63  }
0x136: {  	s11 =	sld [smem:$0x7D6];
	v52 =	vperm.xlane v42, v1;
	v51 =	vadd.s32 v4, v50  }
0x137: {  	[tilespmem:s10], [sflag:$0x1] =	stream.indirect_vreg.gather [hbm4b:s3+s2], $0x80, v45, vm0, $0xb8;
	[tilespmem:$0xE280] =	vst v63  }
0x138: {  	v54 =	vperm.xlane v42, v9;
	v53 =	vadd.s32 v4, v52;
	s9 =	sld [smem:$0x7D7]  }
0x139: {  	[tilespmem:s11], [sflag:$0x1] =	stream.indirect_vreg.gather [hbm4b:s3+s2], $0x80, v49, vm0, $0xb8;
	[tilespmem:$0xE280] =	vst v63  }
0x13a: {  	v56 =	vperm.xlane v42, v0;
	v55 =	vadd.s32 v4, v54;
	s10 =	sld [smem:$0x7D8]  }
0x13b: {  	[tilespmem:s9], [sflag:$0x1] =	stream.indirect_vreg.gather [hbm4b:s3+s2], $0x80, v51, vm0, $0xb8;
	[tilespmem:$0xE280] =	vst v63  }
0x13c: {  	v58 =	vperm.xlane v42, v10;
	v57 =	vadd.s32 v4, v56;
	s11 =	sld [smem:$0x7D9]  }
0x13d: {  	[tilespmem:s10], [sflag:$0x1] =	stream.indirect_vreg.gather [hbm4b:s3+s2], $0x80, v53, vm0, $0xb8;
	[tilespmem:$0xE280] =	vst v63  }
0x13e: {  	v60 =	vperm.xlane v42, v11;
	v59 =	vadd.s32 v4, v58;
	s9 =	sld [smem:$0x7DA]  }
0x13f: {  	[tilespmem:s11], [sflag:$0x1] =	stream.indirect_vreg.gather [hbm4b:s3+s2], $0x80, v55, vm0, $0xb8;
	[tilespmem:$0xE280] =	vst v63  }
0x140: {  	v61 =	vadd.s32 v4, v60;
	v62 =	vperm.xlane v42, v12;
	s10 =	sld [smem:$0x7DB]  }
0x141: {  	[tilespmem:s9], [sflag:$0x1] =	stream.indirect_vreg.gather [hbm4b:s3+s2], $0x80, v57, vm0, $0xb8;
	[tilespmem:$0xE280] =	vst v63  }
0x142: {  	v48 =	vperm.xlane v42, v13;
	v63 =	vadd.s32 v4, v62;
	s11 =	sld [smem:$0x7DC]  }
0x143: {  	[tilespmem:s10], [sflag:$0x1] =	stream.indirect_vreg.gather [hbm4b:s3+s2], $0x80, v59, vm0, $0xb8;
	[tilespmem:$0xE280] =	vst v63  }
0x144: {  	v50 =	vperm.xlane v42, v14;
	v49 =	vadd.s32 v4, v48;
	s9 =	sld [smem:$0x7DD]  }
0x145: {  	[tilespmem:s11], [sflag:$0x1] =	stream.indirect_vreg.gather [hbm4b:s3+s2], $0x80, v61, vm0, $0xb8;
	[tilespmem:$0xE280] =	vst v63  }
0x146: {  	v52 =	vperm.xlane v42, v15;
	v51 =	vadd.s32 v4, v50;
	s10 =	sld [smem:$0x7DE]  }
0x147: {  	[tilespmem:s9], [sflag:$0x1] =	stream.indirect_vreg.gather [hbm4b:s3+s2], $0x80, v63, vm0, $0xb8;
	[tilespmem:$0xE280] =	vst v63  }
0x148: {  	v54 =	vperm.xlane v42, v16;
	v53 =	vadd.s32 v4, v52;
	s11 =	sld [smem:$0x7DF]  }
0x149: {  	[tilespmem:s10], [sflag:$0x1] =	stream.indirect_vreg.gather [hbm4b:s3+s2], $0x80, v49, vm0, $0xb8;
	[tilespmem:$0xE280] =	vst v63  }
0x14a: {  	v42 =	vperm.xlane v42, v18;
	v55 =	vadd.s32 v4, v54;
	s9 =	sld [smem:$0x7E0]  }
0x14b: {  	[tilespmem:s11], [sflag:$0x1] =	stream.indirect_vreg.gather [hbm4b:s3+s2], $0x80, v51, vm0, $0xb8;
	[tilespmem:$0xE280] =	vst v63  }
0x14c: {  	v42 =	vadd.s32 v4, v42;
	s10 =	sld [smem:$0x7E1]  }
0x14d: {  	[tilespmem:s9], [sflag:$0x1] =	stream.indirect_vreg.gather [hbm4b:s3+s2], $0x80, v53, vm0, $0xb8;
	[tilespmem:$0xE280] =	vst v63  }
0x14e: {  	s11 =	sld [smem:$0x7E2]  }
0x14f: {  	[tilespmem:s10], [sflag:$0x1] =	stream.indirect_vreg.gather [hbm4b:s3+s2], $0x80, v55, vm0, $0xb8;
	[tilespmem:$0xE280] =	vst v63  }
0x150: {  	_ = 	snop  }
0x151: {  	[tilespmem:s11], [sflag:$0x1] =	stream.indirect_vreg.gather [hbm4b:s3+s2], $0x80, v42, vm0, $0xb8;
	[tilespmem:$0xE280] =	vst v63  }
0x152: {  	v42 =	vld [tilespmem:$0x1D0];
	_ =	sdelay $0x4  }
0x153: {  	v56 =	vshll.u32 v42, $0x5  }
0x154: {  	v42 =	vand.u32 $0x7, v42;
	v43 =	vand.u32 $0xFFFFFF00, v56  }
0x155: {  	v42 =	vor.u32 v42, v43  }
0x156: {  	v43 =	vperm.xlane v42, v2;
	_ =	sdelay $0x1  }
0x157: {  	v57 =	vperm.xlane v42, v5;
	v43 =	vadd.s32 v4, v43;
	_ =	sdelay $0x1  }
0x158: {  	s8 =	sld [smem:$0x7E3];
	v58 =	vperm.xlane v42, v6;
	v44 =	vadd.s32 v4, v57;
	_ =	sdelay $0x1  }
0x159: {  	s9 =	sld [smem:$0x7E4];
	v59 =	vperm.xlane v42, v7;
	v45 =	vadd.s32 v4, v58  }
0x15a: {  	[tilespmem:s8], [sflag:$0x1] =	stream.indirect_vreg.gather [hbm4b:s3+s2], $0x80, v43, vm0, $0xb8;
	[tilespmem:$0xE280] =	vst v63  }
0x15b: {  	s10 =	sld [smem:$0x7E5];
	v61 =	vperm.xlane v42, v8;
	v60 =	vadd.s32 v4, v59  }
0x15c: {  	[tilespmem:s9], [sflag:$0x1] =	stream.indirect_vreg.gather [hbm4b:s3+s2], $0x80, v44, vm0, $0xb8;
	[tilespmem:$0xE280] =	vst v63  }
0x15d: {  	s11 =	sld [smem:$0x7E6];
	v63 =	vperm.xlane v42, v1;
	v62 =	vadd.s32 v4, v61  }
0x15e: {  	[tilespmem:s10], [sflag:$0x1] =	stream.indirect_vreg.gather [hbm4b:s3+s2], $0x80, v45, vm0, $0xb8;
	[tilespmem:$0xE280] =	vst v63  }
0x15f: {  	v49 =	vperm.xlane v42, v9;
	v48 =	vadd.s32 v4, v63;
	s9 =	sld [smem:$0x7E7]  }
0x160: {  	[tilespmem:s11], [sflag:$0x1] =	stream.indirect_vreg.gather [hbm4b:s3+s2], $0x80, v60, vm0, $0xb8;
	[tilespmem:$0xE280] =	vst v63  }
0x161: {  	v51 =	vperm.xlane v42, v0;
	v50 =	vadd.s32 v4, v49;
	s10 =	sld [smem:$0x7E8]  }
0x162: {  	[tilespmem:s9], [sflag:$0x1] =	stream.indirect_vreg.gather [hbm4b:s3+s2], $0x80, v62, vm0, $0xb8;
	[tilespmem:$0xE280] =	vst v63  }
0x163: {  	v53 =	vperm.xlane v42, v10;
	v52 =	vadd.s32 v4, v51;
	s11 =	sld [smem:$0x7E9]  }
0x164: {  	[tilespmem:s10], [sflag:$0x1] =	stream.indirect_vreg.gather [hbm4b:s3+s2], $0x80, v48, vm0, $0xb8;
	[tilespmem:$0xE280] =	vst v63  }
0x165: {  	v55 =	vperm.xlane v42, v11;
	v54 =	vadd.s32 v4, v53;
	s9 =	sld [smem:$0x7EA]  }
0x166: {  	[tilespmem:s11], [sflag:$0x1] =	stream.indirect_vreg.gather [hbm4b:s3+s2], $0x80, v50, vm0, $0xb8;
	[tilespmem:$0xE280] =	vst v63  }
0x167: {  	v56 =	vadd.s32 v4, v55;
	v57 =	vperm.xlane v42, v12;
	s10 =	sld [smem:$0x7EB]  }
0x168: {  	[tilespmem:s9], [sflag:$0x1] =	stream.indirect_vreg.gather [hbm4b:s3+s2], $0x80, v52, vm0, $0xb8;
	[tilespmem:$0xE280] =	vst v63  }
0x169: {  	v59 =	vperm.xlane v42, v13;
	v58 =	vadd.s32 v4, v57;
	s11 =	sld [smem:$0x7EC]  }
0x16a: {  	[tilespmem:s10], [sflag:$0x1] =	stream.indirect_vreg.gather [hbm4b:s3+s2], $0x80, v54, vm0, $0xb8;
	[tilespmem:$0xE280] =	vst v63  }
0x16b: {  	v61 =	vperm.xlane v42, v14;
	v60 =	vadd.s32 v4, v59;
	s9 =	sld [smem:$0x7ED]  }
0x16c: {  	[tilespmem:s11], [sflag:$0x1] =	stream.indirect_vreg.gather [hbm4b:s3+s2], $0x80, v56, vm0, $0xb8;
	[tilespmem:$0xE280] =	vst v63  }
0x16d: {  	v63 =	vperm.xlane v42, v15;
	v62 =	vadd.s32 v4, v61;
	s10 =	sld [smem:$0x7EE]  }
0x16e: {  	[tilespmem:s9], [sflag:$0x1] =	stream.indirect_vreg.gather [hbm4b:s3+s2], $0x80, v58, vm0, $0xb8;
	[tilespmem:$0xE280] =	vst v63  }
0x16f: {  	v49 =	vperm.xlane v42, v16;
	v48 =	vadd.s32 v4, v63;
	s11 =	sld [smem:$0x7EF]  }
0x170: {  	[tilespmem:s10], [sflag:$0x1] =	stream.indirect_vreg.gather [hbm4b:s3+s2], $0x80, v60, vm0, $0xb8;
	[tilespmem:$0xE280] =	vst v63  }
0x171: {  	v42 =	vperm.xlane v42, v18;
	v50 =	vadd.s32 v4, v49;
	s9 =	sld [smem:$0x7F0]  }
0x172: {  	[tilespmem:s11], [sflag:$0x1] =	stream.indirect_vreg.gather [hbm4b:s3+s2], $0x80, v62, vm0, $0xb8;
	[tilespmem:$0xE280] =	vst v63  }
0x173: {  	v42 =	vadd.s32 v4, v42;
	s10 =	sld [smem:$0x7F1]  }
0x174: {  	[tilespmem:s9], [sflag:$0x1] =	stream.indirect_vreg.gather [hbm4b:s3+s2], $0x80, v48, vm0, $0xb8;
	[tilespmem:$0xE280] =	vst v63  }
0x175: {  	s11 =	sld [smem:$0x7F2]  }
0x176: {  	[tilespmem:s10], [sflag:$0x1] =	stream.indirect_vreg.gather [hbm4b:s3+s2], $0x80, v50, vm0, $0xb8;
	[tilespmem:$0xE280] =	vst v63  }
0x177: {  	_ = 	snop  }
0x178: {  	[tilespmem:s11], [sflag:$0x1] =	stream.indirect_vreg.gather [hbm4b:s3+s2], $0x80, v42, vm0, $0xb8;
	[tilespmem:$0xE280] =	vst v63  }
0x179: {  	v42 =	vld [tilespmem:$0x1E0];
	_ =	sdelay $0x4  }
0x17a: {  	v51 =	vshll.u32 v42, $0x5  }
0x17b: {  	v42 =	vand.u32 $0x7, v42;
	v43 =	vand.u32 $0xFFFFFF00, v51  }
0x17c: {  	v42 =	vor.u32 v42, v43  }
0x17d: {  	v43 =	vperm.xlane v42, v2;
	_ =	sdelay $0x1  }
0x17e: {  	v52 =	vperm.xlane v42, v5;
	v43 =	vadd.s32 v4, v43;
	_ =	sdelay $0x1  }
0x17f: {  	s9 =	sld [smem:$0x7F3];
	v53 =	vperm.xlane v42, v6;
	v44 =	vadd.s32 v4, v52;
	_ =	sdelay $0x1  }
0x180: {  	s10 =	sld [smem:$0x7F4];
	v54 =	vperm.xlane v42, v7;
	v45 =	vadd.s32 v4, v53  }
0x181: {  	[tilespmem:s9], [sflag:$0x1] =	stream.indirect_vreg.gather [hbm4b:s3+s2], $0x80, v43, vm0, $0xb8;
	[tilespmem:$0xE280] =	vst v63  }
0x182: {  	s11 =	sld [smem:$0x7F5];
	v56 =	vperm.xlane v42, v8;
	v55 =	vadd.s32 v4, v54  }
0x183: {  	[tilespmem:s10], [sflag:$0x1] =	stream.indirect_vreg.gather [hbm4b:s3+s2], $0x80, v44, vm0, $0xb8;
	[tilespmem:$0xE280] =	vst v63  }
0x184: {  	v58 =	vperm.xlane v42, v1;
	v57 =	vadd.s32 v4, v56;
	s9 =	sld [smem:$0x7F6]  }
0x185: {  	[tilespmem:s11], [sflag:$0x1] =	stream.indirect_vreg.gather [hbm4b:s3+s2], $0x80, v45, vm0, $0xb8;
	[tilespmem:$0xE280] =	vst v63  }
0x186: {  	v60 =	vperm.xlane v42, v9;
	v59 =	vadd.s32 v4, v58;
	s10 =	sld [smem:$0x7F7]  }
0x187: {  	[tilespmem:s9], [sflag:$0x1] =	stream.indirect_vreg.gather [hbm4b:s3+s2], $0x80, v55, vm0, $0xb8;
	[tilespmem:$0xE280] =	vst v63  }
0x188: {  	v62 =	vperm.xlane v42, v0;
	v61 =	vadd.s32 v4, v60;
	s11 =	sld [smem:$0x7F8]  }
0x189: {  	[tilespmem:s10], [sflag:$0x1] =	stream.indirect_vreg.gather [hbm4b:s3+s2], $0x80, v57, vm0, $0xb8;
	[tilespmem:$0xE280] =	vst v63  }
0x18a: {  	v48 =	vperm.xlane v42, v10;
	v63 =	vadd.s32 v4, v62;
	s9 =	sld [smem:$0x7F9]  }
0x18b: {  	[tilespmem:s11], [sflag:$0x1] =	stream.indirect_vreg.gather [hbm4b:s3+s2], $0x80, v59, vm0, $0xb8;
	[tilespmem:$0xE280] =	vst v63  }
0x18c: {  	v50 =	vperm.xlane v42, v11;
	v49 =	vadd.s32 v4, v48;
	s10 =	sld [smem:$0x7FA]  }
0x18d: {  	[tilespmem:s9], [sflag:$0x1] =	stream.indirect_vreg.gather [hbm4b:s3+s2], $0x80, v61, vm0, $0xb8;
	[tilespmem:$0xE280] =	vst v63  }
0x18e: {  	v51 =	vadd.s32 v4, v50;
	v52 =	vperm.xlane v42, v12;
	s11 =	sld [smem:$0x7FB]  }
0x18f: {  	[tilespmem:s10], [sflag:$0x1] =	stream.indirect_vreg.gather [hbm4b:s3+s2], $0x80, v63, vm0, $0xb8;
	[tilespmem:$0xE280] =	vst v63  }
0x190: {  	v54 =	vperm.xlane v42, v13;
	v53 =	vadd.s32 v4, v52;
	s9 =	sld [smem:$0x7FC]  }
0x191: {  	[tilespmem:s11], [sflag:$0x1] =	stream.indirect_vreg.gather [hbm4b:s3+s2], $0x80, v49, vm0, $0xb8;
	[tilespmem:$0xE280] =	vst v63  }
0x192: {  	v56 =	vperm.xlane v42, v14;
	v55 =	vadd.s32 v4, v54;
	s10 =	sld [smem:$0x7FD]  }
0x193: {  	[tilespmem:s9], [sflag:$0x1] =	stream.indirect_vreg.gather [hbm4b:s3+s2], $0x80, v51, vm0, $0xb8;
	[tilespmem:$0xE280] =	vst v63  }
0x194: {  	v58 =	vperm.xlane v42, v15;
	v57 =	vadd.s32 v4, v56  }
0x195: {  	[tilespmem:s10], [sflag:$0x1] =	stream.indirect_vreg.gather [hbm4b:s3+s2], $0x80, v53, vm0, $0xb8;
	[tilespmem:$0xE280] =	vst v63  }
0x196: {  	v60 =	vperm.xlane v42, v16;
	v59 =	vadd.s32 v4, v58;
	s11 =	simm.s32 $0xD780  }
0x197: {  	[tilespmem:s11], [sflag:$0x1] =	stream.indirect_vreg.gather [hbm4b:s3+s2], $0x80, v55, vm0, $0xb8;
	[tilespmem:$0xE280] =	vst v63  }
0x198: {  	s8 =	simm.s32 $0xD800;
	v42 =	vperm.xlane v42, v18;
	v61 =	vadd.s32 v4, v60  }
0x199: {  	[tilespmem:s8], [sflag:$0x1] =	stream.indirect_vreg.gather [hbm4b:s3+s2], $0x80, v57, vm0, $0xb8;
	[tilespmem:$0xE280] =	vst v63  }
0x19a: {  	v42 =	vadd.s32 v4, v42;
	s9 =	simm.s32 $0xD880  }
0x19b: {  	[tilespmem:s9], [sflag:$0x1] =	stream.indirect_vreg.gather [hbm4b:s3+s2], $0x80, v59, vm0, $0xb8;
	[tilespmem:$0xE280] =	vst v63  }
0x19c: {  	s10 =	simm.s32 $0xD900  }
0x19d: {  	[tilespmem:s10], [sflag:$0x1] =	stream.indirect_vreg.gather [hbm4b:s3+s2], $0x80, v61, vm0, $0xb8;
	[tilespmem:$0xE280] =	vst v63  }
0x19e: {  	_ = 	snop  }
0x19f: {  	[tilespmem:s12], [sflag:$0x1] =	stream.indirect_vreg.gather [hbm4b:s3+s2], $0x80, v42, vm0, $0xb8;
	[tilespmem:$0xE280] =	vst v63  }
0x1a0: {  	v42 =	vld [tilespmem:$0x1F0];
	_ =	sdelay $0x4  }
0x1a1: {  	v62 =	vshll.u32 v42, $0x5  }
0x1a2: {  	v42 =	vand.u32 $0x7, v42;
	v43 =	vand.u32 $0xFFFFFF00, v62  }
0x1a3: {  	v42 =	vor.u32 v42, v43  }
0x1a4: {  	v43 =	vperm.xlane v42, v2;
	_ =	sdelay $0x1  }
0x1a5: {  	v63 =	vperm.xlane v42, v5;
	v43 =	vadd.s32 v4, v43;
	_ =	sdelay $0x1  }
0x1a6: {  	v48 =	vperm.xlane v42, v6;
	v44 =	vadd.s32 v4, v63;
	_ =	sdelay $0x1  }
0x1a7: {  	v49 =	vperm.xlane v42, v7;
	v45 =	vadd.s32 v4, v48  }
0x1a8: {  	[tilespmem:s13], [sflag:$0x1] =	stream.indirect_vreg.gather [hbm4b:s3+s2], $0x80, v43, vm0, $0xb8;
	[tilespmem:$0xE280] =	vst v63  }
0x1a9: {  	v51 =	vperm.xlane v42, v8;
	v50 =	vadd.s32 v4, v49  }
0x1aa: {  	[tilespmem:s14], [sflag:$0x1] =	stream.indirect_vreg.gather [hbm4b:s3+s2], $0x80, v44, vm0, $0xb8;
	[tilespmem:$0xE280] =	vst v63  }
0x1ab: {  	v53 =	vperm.xlane v42, v1;
	v52 =	vadd.s32 v4, v51  }
0x1ac: {  	[tilespmem:s15], [sflag:$0x1] =	stream.indirect_vreg.gather [hbm4b:s3+s2], $0x80, v45, vm0, $0xb8;
	[tilespmem:$0xE280] =	vst v63  }
0x1ad: {  	v55 =	vperm.xlane v42, v9;
	v54 =	vadd.s32 v4, v53  }
0x1ae: {  	[tilespmem:s16], [sflag:$0x1] =	stream.indirect_vreg.gather [hbm4b:s3+s2], $0x80, v50, vm0, $0xb8;
	[tilespmem:$0xE280] =	vst v63  }
0x1af: {  	v57 =	vperm.xlane v42, v0;
	v56 =	vadd.s32 v4, v55  }
0x1b0: {  	[tilespmem:s17], [sflag:$0x1] =	stream.indirect_vreg.gather [hbm4b:s3+s2], $0x80, v52, vm0, $0xb8;
	[tilespmem:$0xE280] =	vst v63  }
0x1b1: {  	v59 =	vperm.xlane v42, v10;
	v58 =	vadd.s32 v4, v57  }
0x1b2: {  	[tilespmem:s18], [sflag:$0x1] =	stream.indirect_vreg.gather [hbm4b:s3+s2], $0x80, v54, vm0, $0xb8;
	[tilespmem:$0xE280] =	vst v63  }
0x1b3: {  	v61 =	vperm.xlane v42, v11;
	v60 =	vadd.s32 v4, v59  }
0x1b4: {  	[tilespmem:s19], [sflag:$0x1] =	stream.indirect_vreg.gather [hbm4b:s3+s2], $0x80, v56, vm0, $0xb8;
	[tilespmem:$0xE280] =	vst v63  }
0x1b5: {  	v62 =	vadd.s32 v4, v61;
	v63 =	vperm.xlane v42, v12  }
0x1b6: {  	[tilespmem:s20], [sflag:$0x1] =	stream.indirect_vreg.gather [hbm4b:s3+s2], $0x80, v58, vm0, $0xb8;
	[tilespmem:$0xE280] =	vst v63  }
0x1b7: {  	v49 =	vperm.xlane v42, v13;
	v48 =	vadd.s32 v4, v63  }
0x1b8: {  	[tilespmem:s21], [sflag:$0x1] =	stream.indirect_vreg.gather [hbm4b:s3+s2], $0x80, v60, vm0, $0xb8;
	[tilespmem:$0xE280] =	vst v63  }
0x1b9: {  	v51 =	vperm.xlane v42, v14;
	v50 =	vadd.s32 v4, v49  }
0x1ba: {  	[tilespmem:s22], [sflag:$0x1] =	stream.indirect_vreg.gather [hbm4b:s3+s2], $0x80, v62, vm0, $0xb8;
	[tilespmem:$0xE280] =	vst v63  }
0x1bb: {  	v53 =	vperm.xlane v42, v15;
	v52 =	vadd.s32 v4, v51  }
0x1bc: {  	[tilespmem:s23], [sflag:$0x1] =	stream.indirect_vreg.gather [hbm4b:s3+s2], $0x80, v48, vm0, $0xb8;
	[tilespmem:$0xE280] =	vst v63  }
0x1bd: {  	v55 =	vperm.xlane v42, v16;
	v54 =	vadd.s32 v4, v53  }
0x1be: {  	[tilespmem:s24], [sflag:$0x1] =	stream.indirect_vreg.gather [hbm4b:s3+s2], $0x80, v50, vm0, $0xb8;
	[tilespmem:$0xE280] =	vst v63  }
0x1bf: {  	v42 =	vperm.xlane v42, v18;
	v56 =	vadd.s32 v4, v55  }
0x1c0: {  	[tilespmem:s25], [sflag:$0x1] =	stream.indirect_vreg.gather [hbm4b:s3+s2], $0x80, v52, vm0, $0xb8;
	[tilespmem:$0xE280] =	vst v63  }
0x1c1: {  	v42 =	vadd.s32 v4, v42  }
0x1c2: {  	[tilespmem:s26], [sflag:$0x1] =	stream.indirect_vreg.gather [hbm4b:s3+s2], $0x80, v54, vm0, $0xb8;
	[tilespmem:$0xE280] =	vst v63  }
0x1c3: {  	_ = 	snop  }
0x1c4: {  	[tilespmem:s28], [sflag:$0x1] =	stream.indirect_vreg.gather [hbm4b:s3+s2], $0x80, v56, vm0, $0xb8;
	[tilespmem:$0xE280] =	vst v63  }
0x1c5: {  	_ = 	snop  }
0x1c6: {  	[tilespmem:s29], [sflag:$0x1] =	stream.indirect_vreg.gather [hbm4b:s3+s2], $0x80, v42, vm0, $0xb8;
	[tilespmem:$0xE280] =	vst v63  }
0x1c7: {  	_ =	swait.ge [sflag:s30], $0x80  }
0x1c8: {  	[sflag:s30] =	ssyncset.done $0x0  }
0x1c9: {  	[sflag:s30] =	ssyncadd.s32 $0xFFFFFF80  }
0x1ca: {  	_ =	swait.ge [sflag:s30], $0x80  }
0x1cb: {  	[sflag:s30] =	ssyncset.done $0x0  }
0x1cc: {  	[sflag:s30] =	ssyncadd.s32 $0xFFFFFF80  }
0x1cd: {  	_ =	swait.ge [sflag:s30], $0xA000  }
0x1ce: {  	[sflag:s30] =	ssyncset.done $0x0  }
0x1cf: {  	[sflag:s30] =	ssyncadd.s32 $0xFFFF6000  }
0x1d0: {  	_ =	swait.ge [sflag:s30], $0x4000  }
0x1d1: {  	[sflag:s30] =	ssyncset.done $0x0  }
0x1d2: {  	[sflag:s30] =	ssyncadd.s32 $0xFFFFC000  }
0x1d3: {  	v57 =	vld [tilespmem:$0x80]  }
0x1d4: {  	v58 =	vld [tilespmem:$0x100];
	_ =	sdelay $0x3  }
0x1d5: {  	v59 =	vshll.u32 v57, $0x7  }
0x1d6: {  	v60 =	vshll.u32 v58, $0x7;
	v44 =	vor.u32 v3, v59  }
0x1d7: {  	v45 =	vadd.s32 v19, v60;
	_ =	sdelay $0x3  }
0x1d8: {  	v44 =	vld.idx.msk [tilespmem:v44+s5+$0x0], $0xffff  }
0x1d9: {  	v45 =	vld.idx.msk [tilespmem:v45+s5+$0x0], $0xffff;
	_ =	sdelay $0x1  }
0x1da: {  	v61 =	vld [tilespmem:$0x0];
	_ =	sdelay $0x1  }
0x1db: {  	v62 =	vld.idx.msk [tilespmem:v17+s7+$0x0], $0xffff;
	v44 =	vadd.f32 $9.999999680e-21, v44  }
0x1dc: {  	vm1 =	veq.s32 v57, $0x0;
	v45 =	vadd.f32 $9.999999680e-21, v45  }
0x1dd: {  	v42 =	vor.u32 v57, v58;
	v44 =	vsel vm1, $0x1E3CE508, v44;
	vm1 =	veq.s32 v58, $0x0  }
0x1de: {  	vm2 =	vne.s32 v61, $0x0;
	v63 =	vsel vm1, $0x1E3CE508, v45;
	vm1 =	veq.s32 v42, $0x0  }
0x1df: {  	vm1 =	vmor vm2, vm1;
	v45 =	vadd.f32 v63, v44  }
0x1e0: {  	v47 =	vnsel vm1, $0x0, v62  }
0x1e1: {  	v42 =	vadd.f32 v45, v47;
	_ =	sdelay $0x1  }
0x1e2: {  	v43 =	vand.u32 $0x7FFFFF, v42  }
0x1e3: {  	v43 =	vor.u32 $0x3F800000, v43  }
0x1e4: {  	v48 =	vmul.f32 $5.000000000e-01, v43  }
0x1e5: {  	vm1 =	vgt.f32 v43, $1.414213540e+00  }
0x1e6: {  	v43 =	vsel vm1, v48, v43  }
0x1e7: {  	v44 =	vadd.f32 $1.000000000e+00, v43;
	_ =	sdelay $0x1  }
0x1e8: {  	(erf) = vrcp.f32 v44;
	_ =	sdelay $0x7  }
0x1e9: {  	v43 =	vadd.f32 $-1.000000000e+00, v43  }
0x1ea: {  	v44 =	vpop (erf)  }
0x1eb: {  	v43 =	vmul.f32 v44, v43;
	_ =	sdelay $0x1  }
0x1ec: {  	v44 =	vmul.f32 v43, v43;
	_ =	sdelay $0x1  }
0x1ed: {  	v49 =	vmul.f32 $2.222222240e-01, v44;
	_ =	sdelay $0x1  }
0x1ee: {  	v45 =	vadd.f32 $2.857142980e-01, v49;
	_ =	sdelay $0x1  }
0x1ef: {  	v45 =	vmul.f32 v45, v44;
	_ =	sdelay $0x1  }
0x1f0: {  	v45 =	vadd.f32 $4.000000060e-01, v45;
	_ =	sdelay $0x1  }
0x1f1: {  	v45 =	vmul.f32 v45, v44;
	_ =	sdelay $0x1  }
0x1f2: {  	v45 =	vadd.f32 $6.666666860e-01, v45;
	_ =	sdelay $0x1  }
0x1f3: {  	v42 =	vshra.s32 v42, $0x17;
	v50 =	vsel vm1, $0xFFFFFF82, v20;
	v44 =	vmul.f32 v45, v44  }
0x1f4: {  	v51 =	vld [tilespmem:$0x90];
	v42 =	vadd.s32 v42, v50  }
0x1f5: {  	v52 =	vld [tilespmem:$0x110];
	v42 =	vcvt.s32.f32 v42;
	v44 =	vadd.f32 $2.000000000e+00, v44;
	_ =	sdelay $0x1  }
0x1f6: {  	v42 =	vmul.f32 $6.931471820e-01, v42;
	v43 =	vmul.f32 v44, v43;
	_ =	sdelay $0x1  }
0x1f7: {  	v53 =	vshll.u32 v51, $0x7;
	v42 =	vadd.f32 v43, v42  }
0x1f8: {  	v54 =	vshll.u32 v52, $0x7;
	v43 =	vor.u32 v22, v53  }
0x1f9: {  	v44 =	vadd.s32 v23, v54;
	v42 =	vsub.f32 $0.0e+00, v42  }
0x1fa: {  	vm1 =	veq.s32 v61, $0xFFFFFF9C  }
0x1fb: {  	v42 =	vsel vm1, $0x0, v42  }
0x1fc: {  	[tilespmem:$0xE200] =	vst v42  }
0x1fd: {  	v42 =	vld.idx.msk [tilespmem:v43+s5+$0x0], $0xffff  }
0x1fe: {  	v55 =	vld.idx.msk [tilespmem:v44+s5+$0x0], $0xffff;
	_ =	sdelay $0x1  }
0x1ff: {  	v56 =	vld [tilespmem:$0x10];
	_ =	sdelay $0x1  }
0x200: {  	v57 =	vld.idx.msk [tilespmem:v21+s7+$0x0], $0xffff;
	v42 =	vadd.f32 $9.999999680e-21, v42  }
0x201: {  	vm1 =	veq.s32 v51, $0x0;
	v43 =	vadd.f32 $9.999999680e-21, v55  }
0x202: {  	v45 =	vor.u32 v51, v52;
	v42 =	vsel vm1, $0x1E3CE508, v42;
	vm1 =	veq.s32 v52, $0x0  }
0x203: {  	vm2 =	vne.s32 v56, $0x0;
	v43 =	vsel vm1, $0x1E3CE508, v43;
	vm1 =	veq.s32 v45, $0x0  }
0x204: {  	vm1 =	vmor vm2, vm1;
	v42 =	vadd.f32 v43, v42  }
0x205: {  	v58 =	vnsel vm1, $0x0, v57  }
0x206: {  	v42 =	vadd.f32 v42, v58;
	_ =	sdelay $0x1  }
0x207: {  	v43 =	vand.u32 $0x7FFFFF, v42  }
0x208: {  	v43 =	vor.u32 $0x3F800000, v43  }
0x209: {  	v59 =	vmul.f32 $5.000000000e-01, v43  }
0x20a: {  	vm1 =	vgt.f32 v43, $1.414213540e+00  }
0x20b: {  	v43 =	vsel vm1, v59, v43  }
0x20c: {  	v45 =	vadd.f32 $1.000000000e+00, v43;
	_ =	sdelay $0x1  }
0x20d: {  	(erf) = vrcp.f32 v45;
	_ =	sdelay $0x7  }
0x20e: {  	v43 =	vadd.f32 $-1.000000000e+00, v43  }
0x20f: {  	v45 =	vpop (erf)  }
0x210: {  	v43 =	vmul.f32 v45, v43;
	_ =	sdelay $0x1  }
0x211: {  	v45 =	vmul.f32 v43, v43;
	_ =	sdelay $0x1  }
0x212: {  	v60 =	vmul.f32 $2.222222240e-01, v45;
	_ =	sdelay $0x1  }
0x213: {  	v46 =	vadd.f32 $2.857142980e-01, v60;
	_ =	sdelay $0x1  }
0x214: {  	v46 =	vmul.f32 v46, v45;
	_ =	sdelay $0x1  }
0x215: {  	v46 =	vadd.f32 $4.000000060e-01, v46;
	_ =	sdelay $0x1  }
0x216: {  	v46 =	vmul.f32 v46, v45;
	_ =	sdelay $0x1  }
0x217: {  	v46 =	vadd.f32 $6.666666860e-01, v46;
	_ =	sdelay $0x1  }
0x218: {  	v42 =	vshra.s32 v42, $0x17;
	v61 =	vsel vm1, $0xFFFFFF82, v20;
	v45 =	vmul.f32 v46, v45  }
0x219: {  	v62 =	vld [tilespmem:$0xA0];
	v42 =	vadd.s32 v42, v61  }
0x21a: {  	v63 =	vld [tilespmem:$0x120];
	v42 =	vcvt.s32.f32 v42;
	v45 =	vadd.f32 $2.000000000e+00, v45;
	_ =	sdelay $0x1  }
0x21b: {  	v42 =	vmul.f32 $6.931471820e-01, v42;
	v43 =	vmul.f32 v45, v43;
	_ =	sdelay $0x1  }
0x21c: {  	v48 =	vshll.u32 v62, $0x7;
	v42 =	vadd.f32 v43, v42  }
0x21d: {  	v49 =	vshll.u32 v63, $0x7;
	v43 =	vor.u32 v25, v48  }
0x21e: {  	v45 =	vadd.s32 v26, v49;
	v42 =	vsub.f32 $0.0e+00, v42  }
0x21f: {  	vm1 =	veq.s32 v56, $0xFFFFFF9C  }
0x220: {  	v42 =	vsel vm1, $0x0, v42  }
0x221: {  	[tilespmem:$0xE210] =	vst v42  }
0x222: {  	v42 =	vld.idx.msk [tilespmem:v43+s5+$0x0], $0xffff  }
0x223: {  	v50 =	vld.idx.msk [tilespmem:v45+s5+$0x0], $0xffff;
	_ =	sdelay $0x1  }
0x224: {  	v51 =	vld [tilespmem:$0x20];
	_ =	sdelay $0x1  }
0x225: {  	v52 =	vld.idx.msk [tilespmem:v24+s7+$0x0], $0xffff;
	v42 =	vadd.f32 $9.999999680e-21, v42  }
0x226: {  	vm1 =	veq.s32 v62, $0x0;
	v43 =	vadd.f32 $9.999999680e-21, v50  }
0x227: {  	v46 =	vor.u32 v62, v63;
	v42 =	vsel vm1, $0x1E3CE508, v42;
	vm1 =	veq.s32 v63, $0x0  }
0x228: {  	vm2 =	vne.s32 v51, $0x0;
	v43 =	vsel vm1, $0x1E3CE508, v43;
	vm1 =	veq.s32 v46, $0x0  }
0x229: {  	vm1 =	vmor vm2, vm1;
	v42 =	vadd.f32 v43, v42  }
0x22a: {  	v53 =	vnsel vm1, $0x0, v52  }
0x22b: {  	v42 =	vadd.f32 v42, v53;
	_ =	sdelay $0x1  }
0x22c: {  	v43 =	vand.u32 $0x7FFFFF, v42  }
0x22d: {  	v43 =	vor.u32 $0x3F800000, v43  }
0x22e: {  	v54 =	vmul.f32 $5.000000000e-01, v43  }
0x22f: {  	vm1 =	vgt.f32 v43, $1.414213540e+00  }
0x230: {  	v43 =	vsel vm1, v54, v43  }
0x231: {  	v45 =	vadd.f32 $1.000000000e+00, v43;
	_ =	sdelay $0x1  }
0x232: {  	(erf) = vrcp.f32 v45;
	_ =	sdelay $0x7  }
0x233: {  	v43 =	vadd.f32 $-1.000000000e+00, v43  }
0x234: {  	v45 =	vpop (erf)  }
0x235: {  	v43 =	vmul.f32 v45, v43;
	_ =	sdelay $0x1  }
0x236: {  	v45 =	vmul.f32 v43, v43;
	_ =	sdelay $0x1  }
0x237: {  	v55 =	vmul.f32 $2.222222240e-01, v45;
	_ =	sdelay $0x1  }
0x238: {  	v46 =	vadd.f32 $2.857142980e-01, v55;
	_ =	sdelay $0x1  }
0x239: {  	v46 =	vmul.f32 v46, v45;
	_ =	sdelay $0x1  }
0x23a: {  	v46 =	vadd.f32 $4.000000060e-01, v46;
	_ =	sdelay $0x1  }
0x23b: {  	v46 =	vmul.f32 v46, v45;
	_ =	sdelay $0x1  }
0x23c: {  	v46 =	vadd.f32 $6.666666860e-01, v46;
	_ =	sdelay $0x1  }
0x23d: {  	v42 =	vshra.s32 v42, $0x17;
	v56 =	vsel vm1, $0xFFFFFF82, v20;
	v45 =	vmul.f32 v46, v45  }
0x23e: {  	v57 =	vld [tilespmem:$0xB0];
	v42 =	vadd.s32 v42, v56  }
0x23f: {  	v58 =	vld [tilespmem:$0x130];
	v42 =	vcvt.s32.f32 v42;
	v45 =	vadd.f32 $2.000000000e+00, v45;
	_ =	sdelay $0x1  }
0x240: {  	v42 =	vmul.f32 $6.931471820e-01, v42;
	v43 =	vmul.f32 v45, v43;
	_ =	sdelay $0x1  }
0x241: {  	v59 =	vshll.u32 v57, $0x7;
	v42 =	vadd.f32 v43, v42  }
0x242: {  	v60 =	vshll.u32 v58, $0x7;
	v43 =	vor.u32 v28, v59  }
0x243: {  	v45 =	vadd.s32 v29, v60;
	v42 =	vsub.f32 $0.0e+00, v42  }
0x244: {  	vm1 =	veq.s32 v51, $0xFFFFFF9C  }
0x245: {  	v42 =	vsel vm1, $0x0, v42  }
0x246: {  	[tilespmem:$0xE220] =	vst v42  }
0x247: {  	v42 =	vld.idx.msk [tilespmem:v43+s5+$0x0], $0xffff  }
0x248: {  	v61 =	vld.idx.msk [tilespmem:v45+s5+$0x0], $0xffff;
	_ =	sdelay $0x1  }
0x249: {  	v62 =	vld [tilespmem:$0x30];
	_ =	sdelay $0x1  }
0x24a: {  	v63 =	vld.idx.msk [tilespmem:v27+s7+$0x0], $0xffff;
	v42 =	vadd.f32 $9.999999680e-21, v42  }
0x24b: {  	vm1 =	veq.s32 v57, $0x0;
	v43 =	vadd.f32 $9.999999680e-21, v61  }
0x24c: {  	v46 =	vor.u32 v57, v58;
	v42 =	vsel vm1, $0x1E3CE508, v42;
	vm1 =	veq.s32 v58, $0x0  }
0x24d: {  	vm2 =	vne.s32 v62, $0x0;
	v43 =	vsel vm1, $0x1E3CE508, v43;
	vm1 =	veq.s32 v46, $0x0  }
0x24e: {  	vm1 =	vmor vm2, vm1;
	v42 =	vadd.f32 v43, v42  }
0x24f: {  	v48 =	vnsel vm1, $0x0, v63  }
0x250: {  	v42 =	vadd.f32 v42, v48;
	_ =	sdelay $0x1  }
0x251: {  	v43 =	vand.u32 $0x7FFFFF, v42  }
0x252: {  	v43 =	vor.u32 $0x3F800000, v43  }
0x253: {  	v49 =	vmul.f32 $5.000000000e-01, v43  }
0x254: {  	vm1 =	vgt.f32 v43, $1.414213540e+00  }
0x255: {  	v43 =	vsel vm1, v49, v43  }
0x256: {  	v45 =	vadd.f32 $1.000000000e+00, v43;
	_ =	sdelay $0x1  }
0x257: {  	(erf) = vrcp.f32 v45;
	_ =	sdelay $0x7  }
0x258: {  	v43 =	vadd.f32 $-1.000000000e+00, v43  }
0x259: {  	v45 =	vpop (erf)  }
0x25a: {  	v43 =	vmul.f32 v45, v43;
	_ =	sdelay $0x1  }
0x25b: {  	v45 =	vmul.f32 v43, v43;
	_ =	sdelay $0x1  }
0x25c: {  	v50 =	vmul.f32 $2.222222240e-01, v45;
	_ =	sdelay $0x1  }
0x25d: {  	v46 =	vadd.f32 $2.857142980e-01, v50;
	_ =	sdelay $0x1  }
0x25e: {  	v46 =	vmul.f32 v46, v45;
	_ =	sdelay $0x1  }
0x25f: {  	v46 =	vadd.f32 $4.000000060e-01, v46;
	_ =	sdelay $0x1  }
0x260: {  	v46 =	vmul.f32 v46, v45;
	_ =	sdelay $0x1  }
0x261: {  	v46 =	vadd.f32 $6.666666860e-01, v46;
	_ =	sdelay $0x1  }
0x262: {  	v42 =	vshra.s32 v42, $0x17;
	v51 =	vsel vm1, $0xFFFFFF82, v20;
	v45 =	vmul.f32 v46, v45  }
0x263: {  	v52 =	vld [tilespmem:$0xC0];
	v42 =	vadd.s32 v42, v51  }
0x264: {  	v53 =	vld [tilespmem:$0x140];
	v42 =	vcvt.s32.f32 v42;
	v45 =	vadd.f32 $2.000000000e+00, v45;
	_ =	sdelay $0x1  }
0x265: {  	v42 =	vmul.f32 $6.931471820e-01, v42;
	v43 =	vmul.f32 v45, v43;
	_ =	sdelay $0x1  }
0x266: {  	v54 =	vshll.u32 v52, $0x7;
	v42 =	vadd.f32 v43, v42  }
0x267: {  	v55 =	vshll.u32 v53, $0x7;
	v43 =	vor.u32 v31, v54  }
0x268: {  	v45 =	vadd.s32 v32, v55;
	v42 =	vsub.f32 $0.0e+00, v42  }
0x269: {  	vm1 =	veq.s32 v62, $0xFFFFFF9C  }
0x26a: {  	v42 =	vsel vm1, $0x0, v42  }
0x26b: {  	[tilespmem:$0xE230] =	vst v42  }
0x26c: {  	v42 =	vld.idx.msk [tilespmem:v43+s5+$0x0], $0xffff  }
0x26d: {  	v56 =	vld.idx.msk [tilespmem:v45+s5+$0x0], $0xffff;
	_ =	sdelay $0x1  }
0x26e: {  	v57 =	vld [tilespmem:$0x40];
	_ =	sdelay $0x1  }
0x26f: {  	v58 =	vld.idx.msk [tilespmem:v30+s7+$0x0], $0xffff;
	v42 =	vadd.f32 $9.999999680e-21, v42  }
0x270: {  	vm1 =	veq.s32 v52, $0x0;
	v43 =	vadd.f32 $9.999999680e-21, v56  }
0x271: {  	v46 =	vor.u32 v52, v53;
	v42 =	vsel vm1, $0x1E3CE508, v42;
	vm1 =	veq.s32 v53, $0x0  }
0x272: {  	vm2 =	vne.s32 v57, $0x0;
	v43 =	vsel vm1, $0x1E3CE508, v43;
	vm1 =	veq.s32 v46, $0x0  }
0x273: {  	vm1 =	vmor vm2, vm1;
	v42 =	vadd.f32 v43, v42  }
0x274: {  	v59 =	vnsel vm1, $0x0, v58  }
0x275: {  	v42 =	vadd.f32 v42, v59;
	_ =	sdelay $0x1  }
0x276: {  	v43 =	vand.u32 $0x7FFFFF, v42  }
0x277: {  	v43 =	vor.u32 $0x3F800000, v43  }
0x278: {  	v60 =	vmul.f32 $5.000000000e-01, v43  }
0x279: {  	vm1 =	vgt.f32 v43, $1.414213540e+00  }
0x27a: {  	v43 =	vsel vm1, v60, v43  }
0x27b: {  	v45 =	vadd.f32 $1.000000000e+00, v43;
	_ =	sdelay $0x1  }
0x27c: {  	(erf) = vrcp.f32 v45;
	_ =	sdelay $0x7  }
0x27d: {  	v43 =	vadd.f32 $-1.000000000e+00, v43  }
0x27e: {  	v45 =	vpop (erf)  }
0x27f: {  	v43 =	vmul.f32 v45, v43;
	_ =	sdelay $0x1  }
0x280: {  	v45 =	vmul.f32 v43, v43;
	_ =	sdelay $0x1  }
0x281: {  	v61 =	vmul.f32 $2.222222240e-01, v45;
	_ =	sdelay $0x1  }
0x282: {  	v46 =	vadd.f32 $2.857142980e-01, v61;
	_ =	sdelay $0x1  }
0x283: {  	v46 =	vmul.f32 v46, v45;
	_ =	sdelay $0x1  }
0x284: {  	v46 =	vadd.f32 $4.000000060e-01, v46;
	_ =	sdelay $0x1  }
0x285: {  	v46 =	vmul.f32 v46, v45;
	_ =	sdelay $0x1  }
0x286: {  	v46 =	vadd.f32 $6.666666860e-01, v46;
	_ =	sdelay $0x1  }
0x287: {  	v42 =	vshra.s32 v42, $0x17;
	v62 =	vsel vm1, $0xFFFFFF82, v20;
	v45 =	vmul.f32 v46, v45  }
0x288: {  	v63 =	vld [tilespmem:$0xD0];
	v42 =	vadd.s32 v42, v62  }
0x289: {  	v48 =	vld [tilespmem:$0x150];
	v42 =	vcvt.s32.f32 v42;
	v45 =	vadd.f32 $2.000000000e+00, v45;
	_ =	sdelay $0x1  }
0x28a: {  	v42 =	vmul.f32 $6.931471820e-01, v42;
	v43 =	vmul.f32 v45, v43;
	_ =	sdelay $0x1  }
0x28b: {  	v49 =	vshll.u32 v63, $0x7;
	v42 =	vadd.f32 v43, v42  }
0x28c: {  	v50 =	vshll.u32 v48, $0x7;
	v43 =	vor.u32 v34, v49  }
0x28d: {  	v45 =	vadd.s32 v35, v50;
	v42 =	vsub.f32 $0.0e+00, v42  }
0x28e: {  	vm1 =	veq.s32 v57, $0xFFFFFF9C  }
0x28f: {  	v42 =	vsel vm1, $0x0, v42  }
0x290: {  	[tilespmem:$0xE240] =	vst v42  }
0x291: {  	v42 =	vld.idx.msk [tilespmem:v43+s5+$0x0], $0xffff  }
0x292: {  	v51 =	vld.idx.msk [tilespmem:v45+s5+$0x0], $0xffff;
	_ =	sdelay $0x1  }
0x293: {  	v52 =	vld [tilespmem:$0x50];
	_ =	sdelay $0x1  }
0x294: {  	v53 =	vld.idx.msk [tilespmem:v33+s7+$0x0], $0xffff;
	v42 =	vadd.f32 $9.999999680e-21, v42  }
0x295: {  	vm1 =	veq.s32 v63, $0x0;
	v43 =	vadd.f32 $9.999999680e-21, v51  }
0x296: {  	v46 =	vor.u32 v63, v48;
	v42 =	vsel vm1, $0x1E3CE508, v42;
	vm1 =	veq.s32 v48, $0x0  }
0x297: {  	vm2 =	vne.s32 v52, $0x0;
	v43 =	vsel vm1, $0x1E3CE508, v43;
	vm1 =	veq.s32 v46, $0x0  }
0x298: {  	vm1 =	vmor vm2, vm1;
	v42 =	vadd.f32 v43, v42  }
0x299: {  	v54 =	vnsel vm1, $0x0, v53  }
0x29a: {  	v42 =	vadd.f32 v42, v54;
	_ =	sdelay $0x1  }
0x29b: {  	v43 =	vand.u32 $0x7FFFFF, v42  }
0x29c: {  	v43 =	vor.u32 $0x3F800000, v43  }
0x29d: {  	v55 =	vmul.f32 $5.000000000e-01, v43  }
0x29e: {  	vm1 =	vgt.f32 v43, $1.414213540e+00  }
0x29f: {  	v43 =	vsel vm1, v55, v43  }
0x2a0: {  	v45 =	vadd.f32 $1.000000000e+00, v43;
	_ =	sdelay $0x1  }
0x2a1: {  	(erf) = vrcp.f32 v45;
	_ =	sdelay $0x7  }
0x2a2: {  	v43 =	vadd.f32 $-1.000000000e+00, v43  }
0x2a3: {  	v45 =	vpop (erf)  }
0x2a4: {  	v43 =	vmul.f32 v45, v43;
	_ =	sdelay $0x1  }
0x2a5: {  	v45 =	vmul.f32 v43, v43;
	_ =	sdelay $0x1  }
0x2a6: {  	v56 =	vmul.f32 $2.222222240e-01, v45;
	_ =	sdelay $0x1  }
0x2a7: {  	v46 =	vadd.f32 $2.857142980e-01, v56;
	_ =	sdelay $0x1  }
0x2a8: {  	v46 =	vmul.f32 v46, v45;
	_ =	sdelay $0x1  }
0x2a9: {  	v46 =	vadd.f32 $4.000000060e-01, v46;
	_ =	sdelay $0x1  }
0x2aa: {  	v46 =	vmul.f32 v46, v45;
	_ =	sdelay $0x1  }
0x2ab: {  	v46 =	vadd.f32 $6.666666860e-01, v46;
	_ =	sdelay $0x1  }
0x2ac: {  	v42 =	vshra.s32 v42, $0x17;
	v57 =	vsel vm1, $0xFFFFFF82, v20;
	v45 =	vmul.f32 v46, v45  }
0x2ad: {  	v58 =	vld [tilespmem:$0xE0];
	v42 =	vadd.s32 v42, v57  }
0x2ae: {  	v59 =	vld [tilespmem:$0x160];
	v42 =	vcvt.s32.f32 v42;
	v45 =	vadd.f32 $2.000000000e+00, v45;
	_ =	sdelay $0x1  }
0x2af: {  	v42 =	vmul.f32 $6.931471820e-01, v42;
	v43 =	vmul.f32 v45, v43;
	_ =	sdelay $0x1  }
0x2b0: {  	v60 =	vshll.u32 v58, $0x7;
	v42 =	vadd.f32 v43, v42  }
0x2b1: {  	v61 =	vshll.u32 v59, $0x7;
	v43 =	vor.u32 v37, v60  }
0x2b2: {  	v45 =	vadd.s32 v38, v61;
	v42 =	vsub.f32 $0.0e+00, v42  }
0x2b3: {  	vm1 =	veq.s32 v52, $0xFFFFFF9C  }
0x2b4: {  	v42 =	vsel vm1, $0x0, v42  }
0x2b5: {  	[tilespmem:$0xE250] =	vst v42  }
0x2b6: {  	v42 =	vld.idx.msk [tilespmem:v43+s5+$0x0], $0xffff  }
0x2b7: {  	v62 =	vld.idx.msk [tilespmem:v45+s5+$0x0], $0xffff;
	_ =	sdelay $0x1  }
0x2b8: {  	v63 =	vld [tilespmem:$0x60];
	_ =	sdelay $0x1  }
0x2b9: {  	v48 =	vld.idx.msk [tilespmem:v36+s7+$0x0], $0xffff;
	v42 =	vadd.f32 $9.999999680e-21, v42  }
0x2ba: {  	vm1 =	veq.s32 v58, $0x0;
	v43 =	vadd.f32 $9.999999680e-21, v62  }
0x2bb: {  	v46 =	vor.u32 v58, v59;
	v42 =	vsel vm1, $0x1E3CE508, v42;
	vm1 =	veq.s32 v59, $0x0  }
0x2bc: {  	vm2 =	vne.s32 v63, $0x0;
	v43 =	vsel vm1, $0x1E3CE508, v43;
	vm1 =	veq.s32 v46, $0x0  }
0x2bd: {  	vm1 =	vmor vm2, vm1;
	v42 =	vadd.f32 v43, v42  }
0x2be: {  	v49 =	vnsel vm1, $0x0, v48  }
0x2bf: {  	v42 =	vadd.f32 v42, v49;
	_ =	sdelay $0x1  }
0x2c0: {  	v43 =	vand.u32 $0x7FFFFF, v42  }
0x2c1: {  	v43 =	vor.u32 $0x3F800000, v43  }
0x2c2: {  	v50 =	vmul.f32 $5.000000000e-01, v43  }
0x2c3: {  	vm1 =	vgt.f32 v43, $1.414213540e+00  }
0x2c4: {  	v43 =	vsel vm1, v50, v43  }
0x2c5: {  	v45 =	vadd.f32 $1.000000000e+00, v43;
	_ =	sdelay $0x1  }
0x2c6: {  	(erf) = vrcp.f32 v45;
	_ =	sdelay $0x7  }
0x2c7: {  	v43 =	vadd.f32 $-1.000000000e+00, v43  }
0x2c8: {  	v45 =	vpop (erf)  }
0x2c9: {  	v43 =	vmul.f32 v45, v43;
	_ =	sdelay $0x1  }
0x2ca: {  	v45 =	vmul.f32 v43, v43;
	_ =	sdelay $0x1  }
0x2cb: {  	v51 =	vmul.f32 $2.222222240e-01, v45;
	_ =	sdelay $0x1  }
0x2cc: {  	v46 =	vadd.f32 $2.857142980e-01, v51;
	_ =	sdelay $0x1  }
0x2cd: {  	v46 =	vmul.f32 v46, v45;
	_ =	sdelay $0x1  }
0x2ce: {  	v46 =	vadd.f32 $4.000000060e-01, v46;
	_ =	sdelay $0x1  }
0x2cf: {  	v46 =	vmul.f32 v46, v45;
	_ =	sdelay $0x1  }
0x2d0: {  	v46 =	vadd.f32 $6.666666860e-01, v46;
	_ =	sdelay $0x1  }
0x2d1: {  	v42 =	vshra.s32 v42, $0x17;
	v52 =	vsel vm1, $0xFFFFFF82, v20;
	v45 =	vmul.f32 v46, v45  }
0x2d2: {  	v53 =	vld [tilespmem:$0xF0];
	v42 =	vadd.s32 v42, v52  }
0x2d3: {  	v54 =	vld [tilespmem:$0x170];
	v42 =	vcvt.s32.f32 v42;
	v45 =	vadd.f32 $2.000000000e+00, v45;
	_ =	sdelay $0x1  }
0x2d4: {  	v42 =	vmul.f32 $6.931471820e-01, v42;
	v43 =	vmul.f32 v45, v43;
	_ =	sdelay $0x1  }
0x2d5: {  	v55 =	vshll.u32 v53, $0x7;
	v42 =	vadd.f32 v43, v42  }
0x2d6: {  	v56 =	vshll.u32 v54, $0x7;
	v43 =	vor.u32 v40, v55  }
0x2d7: {  	v45 =	vadd.s32 v41, v56;
	v42 =	vsub.f32 $0.0e+00, v42  }
0x2d8: {  	vm1 =	veq.s32 v63, $0xFFFFFF9C  }
0x2d9: {  	v42 =	vsel vm1, $0x0, v42  }
0x2da: {  	[tilespmem:$0xE260] =	vst v42  }
0x2db: {  	v42 =	vld.idx.msk [tilespmem:v43+s5+$0x0], $0xffff  }
0x2dc: {  	v57 =	vld.idx.msk [tilespmem:v45+s5+$0x0], $0xffff;
	_ =	sdelay $0x1  }
0x2dd: {  	v58 =	vld [tilespmem:$0x70];
	_ =	sdelay $0x1  }
0x2de: {  	v59 =	vld.idx.msk [tilespmem:v39+s7+$0x0], $0xffff;
	v42 =	vadd.f32 $9.999999680e-21, v42  }
0x2df: {  	vm1 =	veq.s32 v53, $0x0;
	v43 =	vadd.f32 $9.999999680e-21, v57  }
0x2e0: {  	v46 =	vor.u32 v53, v54;
	v42 =	vsel vm1, $0x1E3CE508, v42;
	vm1 =	veq.s32 v54, $0x0  }
0x2e1: {  	vm2 =	vne.s32 v58, $0x0;
	v43 =	vsel vm1, $0x1E3CE508, v43;
	vm1 =	veq.s32 v46, $0x0  }
0x2e2: {  	vm1 =	vmor vm2, vm1;
	v42 =	vadd.f32 v43, v42  }
0x2e3: {  	v60 =	vnsel vm1, $0x0, v59  }
0x2e4: {  	v42 =	vadd.f32 v42, v60;
	_ =	sdelay $0x1  }
0x2e5: {  	v43 =	vand.u32 $0x7FFFFF, v42  }
0x2e6: {  	v43 =	vor.u32 $0x3F800000, v43  }
0x2e7: {  	v61 =	vmul.f32 $5.000000000e-01, v43  }
0x2e8: {  	vm1 =	vgt.f32 v43, $1.414213540e+00  }
0x2e9: {  	v43 =	vsel vm1, v61, v43  }
0x2ea: {  	v45 =	vadd.f32 $1.000000000e+00, v43;
	_ =	sdelay $0x1  }
0x2eb: {  	(erf) = vrcp.f32 v45;
	_ =	sdelay $0x7  }
0x2ec: {  	v43 =	vadd.f32 $-1.000000000e+00, v43  }
0x2ed: {  	v45 =	vpop (erf)  }
0x2ee: {  	v43 =	vmul.f32 v45, v43;
	_ =	sdelay $0x1  }
0x2ef: {  	v45 =	vmul.f32 v43, v43;
	_ =	sdelay $0x1  }
0x2f0: {  	v62 =	vmul.f32 $2.222222240e-01, v45;
	_ =	sdelay $0x1  }
0x2f1: {  	v46 =	vadd.f32 $2.857142980e-01, v62;
	_ =	sdelay $0x1  }
0x2f2: {  	v46 =	vmul.f32 v46, v45;
	_ =	sdelay $0x1  }
0x2f3: {  	v46 =	vadd.f32 $4.000000060e-01, v46;
	_ =	sdelay $0x1  }
0x2f4: {  	v46 =	vmul.f32 v46, v45;
	_ =	sdelay $0x1  }
0x2f5: {  	v46 =	vadd.f32 $6.666666860e-01, v46;
	_ =	sdelay $0x1  }
0x2f6: {  	v42 =	vshra.s32 v42, $0x17;
	v63 =	vsel vm1, $0xFFFFFF82, v20;
	v45 =	vmul.f32 v46, v45  }
0x2f7: {  	v42 =	vadd.s32 v42, v63  }
0x2f8: {  	v42 =	vcvt.s32.f32 v42;
	v45 =	vadd.f32 $2.000000000e+00, v45;
	_ =	sdelay $0x1  }
0x2f9: {  	v42 =	vmul.f32 $6.931471820e-01, v42;
	v43 =	vmul.f32 v45, v43;
	_ =	sdelay $0x1  }
0x2fa: {  	v42 =	vadd.f32 v43, v42;
	_ =	sdelay $0x1  }
0x2fb: {  	v42 =	vsub.f32 $0.0e+00, v42  }
0x2fc: {  	vm1 =	veq.s32 v58, $0xFFFFFF9C  }
0x2fd: {  	p0 =	sne.s32 s4, $0x1;
	v42 =	vsel vm1, $0x0, v42  }
.Ltmp0:
0x2fe: {  	s11 =	rddreg [dreg:$0xa];
	[tilespmem:$0xE270] =	vst v42;
	(pc) =	sbr.rel @p0 .LBB2_1-.Ltmp0, $4  }
0x2ff: {  	[hbm4b:s11+s2] =	stream.linear.scatter [tilespmem:s31], [sflag:$0x3], $0x80, $0x38;
	[tilespmem:$0xE280] =	vst v63  }
0x300: {  	_ =	swait.ge [sflag:s1], $0x80  }
0x301: {  	[sflag:s1] =	ssyncset.done $0x0  }
0x302: {  	s4 =	sadd.s32 $0xFFFFFFFF, s4;
	[sflag:s1] =	ssyncadd.s32 $0xFFFFFF80  }
0x303: {  	_ =	sfence.sel $0x180000  }
0x304: {  	[bflag:$0x0] =	sbarrier.arrive $0xFFFF  }
0x305: {  	_ =	strace $0x90000047  }
0x306: {  	s0 =	stileid.u32;
	[bflag:$0x2] =	sbarrier.arrive $0xFFFF  }
0x307: {  	p0 =	sne.s32 s0, $0x0;
	s0 =	rddreg [dreg:$0x5]  }
0x308: {  	s0 =	sadd.s32 @!p0 $0x100000, s0  }
0x309: {  	[sflag:s0] =	ssyncadd.tile.s32 @!p0 $0x1;
	_ =	shalt  }
.Lfunc_end2:
_tile_overlayer_lowered:
.L_overlay_start_2:
0x30a: {  	(tag) =	ssettag $0x2  }
0x30b: {  	s0 =	rddreg [dreg:$0x0];
	s2 =	stileid.u32  }
0x30c: {  	s1 =	rddreg [dreg:$0x1];
	p0 =	sne.s32 s2, $0x0  }
0x30d: {  	s3 =	rddreg [dreg:$0x2];
	[bflag:$0x3] =	sbarrier.arrive $0xFFFF;
	s2 =	simm.s32 @!p0 $0x1C03  }
0x30e: {  	[timem:s3], [sflag:s2] =	dma.local @!p0 [hbm:s0], s1  }
0x30f: {  	s0 =	simm.s32 @!p0 $0x3  }
0x310: {  	_ =	swait.ge @!p0 [sflag:s0], s1  }
0x311: {  	s1 =	ssub.s32 @!p0 $0x0, s1;
	[sflag:s0] =	ssyncset.done @!p0 $0x0  }
0x312: {  	[sflag:s0] =	ssyncadd.s32 @!p0 s1  }
0x313: {  	[bflag:$0x3] =	sbarrier.arrive $0xFFFF  }
0x314: {  	_ =	shalt  }

</sc_bundles>
